<compile_context>
chip_gen: v7x
topology: tpu7x:2x2x1
jax: 0.10.2.dev20260603
libtpu: 0.0.44.dev20260713+nightly
codegen_flags: <defaults>
</compile_context>

<pallas_src>
import functools

import jax
import jax.numpy as jnp
from jax.experimental import pallas as pl
from jax.experimental.pallas import tpu as pltpu
from jax.experimental.pallas import tpu_sc as plsc

_BETA = 0.25


def _e_prep_body(e_ref, em_ref, esq_ref):
    e = e_ref[...]
    em_ref[...] = e.astype(jnp.bfloat16)
    esq_ref[...] = jnp.sum(e * e, axis=1, keepdims=True)


def _e_prep(E, bk=1024):
    k_codes, d = E.shape
    return pl.pallas_call(
        _e_prep_body,
        grid=(k_codes // bk,),
        in_specs=[pl.BlockSpec((bk, d), lambda k: (k, 0))],
        out_specs=[
            pl.BlockSpec((bk, d), lambda k: (k, 0)),
            pl.BlockSpec((bk, 1), lambda k: (k, 0)),
        ],
        out_shape=[
            jax.ShapeDtypeStruct((k_codes, d), jnp.bfloat16),
            jax.ShapeDtypeStruct((k_codes, 1), jnp.float32),
        ],
    )(E)


def _dist_body(nb, kb, bn, bk, n_tokens, x_ref, em_ref, esq_ref,
               arg_ref, min_ref, loss_ref):
    n = pl.program_id(0)

    x = x_ref[...]
    x_sq = jnp.sum(x * x, axis=1, keepdims=True)
    xm2 = (-2.0 * x).astype(jnp.bfloat16)
    lanef = jax.lax.broadcasted_iota(jnp.int32, (bn, 128), 1).astype(
        jnp.float32)

    m_run = None
    a_run = None
    for c in range(kb):
        em = em_ref[pl.ds(c * bk, bk), :]
        s2 = jax.lax.dot_general(xm2, em, (((1,), (1,)), ((), ())),
                                 preferred_element_type=jnp.float32)
        m128 = None
        c128 = None
        for j in range(bk // 128):
            e_sq = esq_ref[0:1, pl.ds(c * bk + j * 128, 128)]
            strip = e_sq + s2[:, j * 128:(j + 1) * 128]
            if j == 0:
                m128 = strip
                c128 = jnp.zeros((bn, 128), jnp.float32)
            else:
                lt = strip < m128
                m128 = jnp.where(lt, strip, m128)
                c128 = jnp.where(lt, jnp.float32(j), c128)
        m = jnp.min(m128, axis=1, keepdims=True)
        cand = jnp.where(m128 == m, c128 * jnp.float32(128.0) + lanef,
                         jnp.float32(bk))
        a_loc = jnp.min(cand, axis=1, keepdims=True)
        a = a_loc.astype(jnp.int32) + c * bk
        if c == 0:
            m_run, a_run = m, a
        else:
            upd = m < m_run
            m_run = jnp.where(upd, m, m_run)
            a_run = jnp.where(upd, a, a_run)

    m_run = m_run + x_sq
    min_ref[...] = m_run
    arg_ref[...] = a_run

    part = jnp.sum(m_run, keepdims=True).reshape(1, 1)
    prev = jnp.where(n == 0, jnp.zeros((1, 1), jnp.float32), loss_ref[...])
    tot = prev + part
    loss_ref[...] = jnp.where(n == nb - 1, tot * (_BETA / n_tokens), tot)


def _argmin_min_loss(X, E_weight, bn=512, bk=1024, interpret=False):
    n_tokens, d = X.shape
    k_codes = E_weight.shape[0]
    nb, kb = n_tokens // bn, k_codes // bk
    em, esq_col = _e_prep(E_weight)
    esq = esq_col.reshape(1, k_codes)
    body = functools.partial(_dist_body, nb, kb, bn, bk, n_tokens)
    return pl.pallas_call(
        body,
        grid=(nb,),
        in_specs=[
            pl.BlockSpec((bn, d), lambda n: (n, 0)),
            pl.BlockSpec((k_codes, d), lambda n: (0, 0)),
            pl.BlockSpec((1, k_codes), lambda n: (0, 0)),
        ],
        out_specs=[
            pl.BlockSpec((bn, 1), lambda n: (n, 0)),
            pl.BlockSpec((bn, 1), lambda n: (n, 0)),
            pl.BlockSpec((1, 1), lambda n: (0, 0)),
        ],
        out_shape=[
            jax.ShapeDtypeStruct((n_tokens, 1), jnp.int32),
            jax.ShapeDtypeStruct((n_tokens, 1), jnp.float32),
            jax.ShapeDtypeStruct((1, 1), jnp.float32),
        ],
        compiler_params=pltpu.CompilerParams(
            dimension_semantics=("arbitrary",)),
        interpret=interpret,
    )(X, em, esq)


def _gather_rows(E_weight, argmins, window=128):
    n_tokens = argmins.shape[0]
    d = E_weight.shape[1]
    idx2 = argmins.reshape(1, n_tokens)
    mesh = plsc.VectorSubcoreMesh(core_axis_name="c", subcore_axis_name="s")

    @pl.kernel(out_type=jax.ShapeDtypeStruct((n_tokens, d), E_weight.dtype),
               mesh=mesh)
    def gather_kernel(e_hbm, i_hbm, o_hbm):
        def body(i_vmem, o_vmem):
            pltpu.sync_copy(e_hbm.at[i_vmem.at[0]], o_vmem)

        pltpu.emit_pipeline(
            body,
            grid=(n_tokens // window,),
            in_specs=[pl.BlockSpec((1, window), index_map=lambda i: (0, i))],
            out_specs=[pl.BlockSpec((window, d), index_map=lambda i: (i, 0))],
            core_axis_name=("c", "s"),
            dimension_semantics=(pltpu.PARALLEL,),
        )(i_hbm, o_hbm)

    return gather_kernel(E_weight, idx2)


def kernel(X, E_weight):
    n_tokens = X.shape[0]
    arg2, min2, loss2 = _argmin_min_loss(X, E_weight)
    argmins = arg2.reshape(n_tokens)
    min_dist = min2.reshape(n_tokens)
    loss = loss2[0, 0]
    z_st = _gather_rows(E_weight, argmins)
    return (z_st, loss, argmins, min_dist)

# --- scband reference (transcript-rebuilt; emitter-appended) ---
"""Pipeline reference for scband-vqlayer-42485816492290 (READ-ONLY COPY).

The authoritative reference and input builder live on the scoring server;
editing this copy changes nothing except your own understanding.
"""

import jax, jax.numpy as jnp
import numpy as np

BETA = 0.25

def setup_inputs(seed: int = 0) -> dict:
    key = jax.random.key(seed)
    k1, k2 = jax.random.split(key)
    X = jax.random.normal(k1, (8192, 256), dtype=jnp.float32)
    E_weight = jax.random.normal(k2, (8192, 256), dtype=jnp.float32)
    return {"X": X, "E_weight": E_weight}

def reference(X, E_weight):
    # pairwise squared distances between tokens and codebook entries
    X_sqnorm = jnp.sum(X ** 2, axis=1, keepdims=True)            # [N, 1]
    E_sqnorm = jnp.sum(E_weight ** 2, axis=1)[None, :]           # [1, K]
    dist = X_sqnorm + E_sqnorm - 2.0 * (X @ E_weight.T)          # [N, K]
    argmins = jnp.argmin(dist, axis=1)                           # [N]
    min_dist = jnp.min(dist, axis=1)                             # [N]
    Z_embs = jnp.take(E_weight, argmins, axis=0)                 # [N, d]
    # commitment loss (ema=True branch: only the beta term)
    loss = BETA * jnp.mean(jnp.sum((X - jax.lax.stop_gradient(Z_embs)) ** 2, axis=1))
    # straight-through estimator output
    Z_st = X + jax.lax.stop_gradient(Z_embs - X)
    # EMA buffer update (update_E_ema) is a training-time side effect on buffers
    # and does not affect this call's outputs; evaluated in eval mode here.
    return (Z_st, loss, argmins, min_dist)

if __name__ == "__main__":
    import jax
    _d = setup_inputs()
    print(jax.jit(kernel)(*tuple(_d.values())))

</pallas_src>

<mosaic_0001>
#map = affine_map<(d0, d1) -> (0, 0)>
module attributes {stable_mosaic.version = 14 : i64} {
  func.func @gather_kernel(%arg0: i32, %arg1: i32, %arg2: memref<8192x256xf32, #tpu.memory_space<hbm>>, %arg3: memref<1x8192xi32, #tpu.memory_space<hbm>>, %arg4: memref<8192x256xf32, #tpu.memory_space<hbm>>) attributes {dimension_semantics = [#tpu.dimension_semantics<core_parallel>, #tpu.dimension_semantics<subcore_parallel>], iteration_bounds = array<i64: 2, 16>, scalar_prefetch = 0 : i64, scratch_operands = 0 : i64, tpu.core_type = #tpu.core_type<sc_vector_subcore>, window_params = [{transform_indices = #map}, {transform_indices = #map}, {transform_indices = #map}]} {
    %mul3A = arith.constant 1 : i32
    %mul3A_0 = arith.muli %arg1, %mul3A : i32
    %add3A = arith.constant 0 : i32
    %add3A_1 = arith.addi %add3A, %mul3A_0 : i32
    %mul3A_2 = arith.constant 16 : i32
    %mul3A_3 = arith.muli %arg0, %mul3A_2 : i32
    %add3A_4 = arith.addi %add3A_1, %mul3A_3 : i32
    %mul3A_5 = arith.constant 2 : i32
    %mul3A_6 = arith.muli %add3A_4, %mul3A_5 : i32
    "tpu.region"() ({
      %run_scoped3A = memref.alloca() : memref<2x1x128xi32, #tpu.memory_space<vmem>>
      %run_scoped3A_7 = tpu.sem_alloc : memref<2x!tpu.dma_semaphore, #tpu.memory_space<semaphore_mem>>
      %run_scoped3A_8 = memref.alloca() : memref<2x128x256xf32, #tpu.memory_space<vmem>>
      %run_scoped3A_9 = tpu.sem_alloc : memref<2x!tpu.dma_semaphore, #tpu.memory_space<semaphore_mem>>
      %add3A_10 = arith.constant 0 : i32
      %add3A_11 = arith.addi %add3A_10, %mul3A_6 : i32
      %select_n3A = arith.constant true
      %select_n3A_12 = arith.constant 0 : i32
      %select_n3A_13 = arith.constant -1 : i32
      %select_n3A_14 = arith.select %select_n3A, %select_n3A_13, %select_n3A_12 : i32
      %eq3A = arith.constant -1 : i32
      %eq3A_15 = arith.cmpi eq, %select_n3A_14, %eq3A : i32
      %select_n3A_16 = arith.constant 1 : i32
      %select_n3A_17 = arith.select %eq3A_15, %select_n3A_16, %select_n3A_14 : i32
      %add3A_18 = arith.addi %select_n3A_17, %mul3A_6 : i32
      %select_n3A_19 = arith.constant true
      %select_n3A_20 = arith.constant 0 : i32
      %select_n3A_21 = arith.constant 1 : i32
      %select_n3A_22 = arith.select %select_n3A_19, %select_n3A_21, %select_n3A_20 : i32
      %eq3A_23 = arith.constant 2 : i32
      %eq3A_24 = arith.cmpi eq, %select_n3A_22, %eq3A_23 : i32
      %select_n3A_25 = arith.constant 0 : i32
      %select_n3A_26 = arith.select %eq3A_24, %select_n3A_25, %select_n3A_22 : i32
      %add3A_27 = arith.addi %select_n3A_26, %mul3A_6 : i32
      %add3A_28 = arith.constant 1 : i32
      %add3A_29 = arith.addi %select_n3A_26, %add3A_28 : i32
      %select_n3A_30 = arith.constant true
      %select_n3A_31 = arith.select %select_n3A_30, %add3A_29, %select_n3A_26 : i32
      %eq3A_32 = arith.constant 2 : i32
      %eq3A_33 = arith.cmpi eq, %select_n3A_31, %eq3A_32 : i32
      %select_n3A_34 = arith.constant 0 : i32
      %select_n3A_35 = arith.select %eq3A_33, %select_n3A_34, %select_n3A_31 : i32
      %add3A_36 = arith.addi %select_n3A_35, %mul3A_6 : i32
      "tpu.trace_start"() <{level = 10 : i32, message = "ep_initialize_0"}> : () -> ()
      %rem3A = arith.constant 0 : i32
      %rem3A_37 = arith.constant 2 : i32
      %rem3A_38 = arith.remui %rem3A, %rem3A_37 : i32
      %mul3A_39 = arith.constant 128 : i32
      %mul3A_40 = arith.muli %mul3A_39, %add3A_11 : i32
      %dma_start3A = arith.constant 0 : i32
      %dma_start3A_41 = arith.constant 0 : i32
      %dma_start3A_42 = tpu.memref_slice %run_scoped3A[%rem3A_38, %dma_start3A, %dma_start3A_41] : memref<2x1x128xi32, #tpu.memory_space<vmem>> -> memref<1x1x128xi32, #tpu.memory_space<vmem>>
      %dma_start3A_43 = tpu.memref_squeeze %dma_start3A_42 : memref<1x1x128xi32, #tpu.memory_space<vmem>> -> memref<1x128xi32, #tpu.memory_space<vmem>>
      %dma_start3A_44 = arith.constant 0 : i32
      %dma_start3A_45 = tpu.memref_slice %arg3[%dma_start3A_44, %mul3A_40] : memref<1x8192xi32, #tpu.memory_space<hbm>> -> memref<1x128xi32, #tpu.memory_space<hbm>>
      %dma_start3A_46 = tpu.memref_slice %run_scoped3A_7[%rem3A_38] : memref<2x!tpu.dma_semaphore, #tpu.memory_space<semaphore_mem>> -> memref<1x!tpu.dma_semaphore, #tpu.memory_space<semaphore_mem>>
      %dma_start3A_47 = tpu.memref_squeeze %dma_start3A_46 : memref<1x!tpu.dma_semaphore, #tpu.memory_space<semaphore_mem>> -> memref<!tpu.dma_semaphore, #tpu.memory_space<semaphore_mem>>
      %dma_start3A_48 = arith.constant 0 : i32
      %dma_start3A_49 = arith.constant 0 : i32
      %dma_start3A_50 = tpu.memref_slice %run_scoped3A[%rem3A_38, %dma_start3A_48, %dma_start3A_49] : memref<2x1x128xi32, #tpu.memory_space<vmem>> -> memref<1x1x128xi32, #tpu.memory_space<vmem>>
      %dma_start3A_51 = tpu.memref_squeeze %dma_start3A_50 : memref<1x1x128xi32, #tpu.memory_space<vmem>> -> memref<1x128xi32, #tpu.memory_space<vmem>>
      %dma_start3A_52 = arith.constant 0 : i32
      %dma_start3A_53 = tpu.memref_slice %arg3[%dma_start3A_52, %mul3A_40] : memref<1x8192xi32, #tpu.memory_space<hbm>> -> memref<1x128xi32, #tpu.memory_space<hbm>>
      tpu.enqueue_dma source(%dma_start3A_53 : memref<1x128xi32, #tpu.memory_space<hbm>>) target(%dma_start3A_51 : memref<1x128xi32, #tpu.memory_space<vmem>>) target_semaphore(%dma_start3A_47 : memref<!tpu.dma_semaphore, #tpu.memory_space<semaphore_mem>>)
      %add3A_54 = arith.constant 0 : i32
      %add3A_55 = arith.constant 1 : i32
      %add3A_56 = arith.addi %add3A_54, %add3A_55 : i32
      %select_n3A_57 = arith.constant true
      %select_n3A_58 = arith.constant 0 : i32
      %select_n3A_59 = arith.select %select_n3A_57, %add3A_56, %select_n3A_58 : i32
      "tpu.trace_stop"() : () -> ()
      %scan3A = arith.constant 0 : i32
      %scan3A_60 = arith.constant 0 : i32
      %scan3A_61 = arith.constant 0 : i32
      %scan3A_62 = arith.constant 0 : i32
      %scan3A_63 = arith.constant 0 : i32
      %scan3A_64 = arith.constant 2 : i32
      %scan3A_65 = arith.addi %scan3A_63, %scan3A_64 : i32
      %scan3A_66 = arith.constant 1 : i32
      %scan3A_67:5 = scf.for %scan3A_121 = %scan3A_63 to %scan3A_65 step %scan3A_66 iter_args(%scan3A_122 = %select_n3A_59, %scan3A_123 = %scan3A, %scan3A_124 = %scan3A_60, %scan3A_125 = %scan3A_61, %scan3A_126 = %scan3A_62) -> (i32, i32, i32, i32, i32)  : i32 {
        %eq3A_127 = arith.constant 0 : i32
        %eq3A_128 = arith.cmpi eq, %scan3A_121, %eq3A_127 : i32
        %eq3A_129 = arith.constant 1 : i32
        %eq3A_130 = arith.cmpi eq, %scan3A_121, %eq3A_129 : i32
        %add3A_131 = arith.addi %scan3A_126, %mul3A_6 : i32
        %sub3A_132 = arith.constant 1 : i32
        %sub3A_133 = arith.subi %scan3A_126, %sub3A_132 : i32
        %select_n3A_134 = arith.constant true
        %select_n3A_135 = arith.select %select_n3A_134, %sub3A_133, %scan3A_126 : i32
        %eq3A_136 = arith.constant -1 : i32
        %eq3A_137 = arith.cmpi eq, %select_n3A_135, %eq3A_136 : i32
        %select_n3A_138 = arith.constant 1 : i32
        %select_n3A_139 = arith.select %eq3A_137, %select_n3A_138, %select_n3A_135 : i32
        %add3A_140 = arith.addi %select_n3A_139, %mul3A_6 : i32
        %add3A_141 = arith.constant 1 : i32
        %add3A_142 = arith.addi %scan3A_126, %add3A_141 : i32
        %select_n3A_143 = arith.constant true
        %select_n3A_144 = arith.select %select_n3A_143, %add3A_142, %scan3A_126 : i32
        %eq3A_145 = arith.constant 2 : i32
        %eq3A_146 = arith.cmpi eq, %select_n3A_144, %eq3A_145 : i32
        %select_n3A_147 = arith.constant 0 : i32
        %select_n3A_148 = arith.select %eq3A_146, %select_n3A_147, %select_n3A_144 : i32
        %add3A_149 = arith.addi %select_n3A_148, %mul3A_6 : i32
        %add3A_150 = arith.constant 1 : i32
        %add3A_151 = arith.addi %select_n3A_148, %add3A_150 : i32
        %select_n3A_152 = arith.constant true
        %select_n3A_153 = arith.select %select_n3A_152, %add3A_151, %select_n3A_148 : i32
        %eq3A_154 = arith.constant 2 : i32
        %eq3A_155 = arith.cmpi eq, %select_n3A_153, %eq3A_154 : i32
        %select_n3A_156 = arith.constant 0 : i32
        %select_n3A_157 = arith.select %eq3A_155, %select_n3A_156, %select_n3A_153 : i32
        %add3A_158 = arith.addi %select_n3A_157, %mul3A_6 : i32
        %ne3A = arith.cmpi ne, %add3A_131, %add3A_149 : i32
        %or3A = arith.constant false
        %or3A_159 = arith.ori %or3A, %ne3A : i1
        %ge3A = arith.constant 1 : i32
        %ge3A_160 = arith.cmpi sge, %scan3A_121, %ge3A : i32
        %not3A = arith.constant true
        %not3A_161 = arith.xori %ge3A_160, %not3A : i1
        %and3A = arith.andi %or3A_159, %not3A_161 : i1
        %convert_element_type3A = arith.extui %and3A : i1 to i32
        %cond3A = arith.constant 0 : i32
        %cond3A_162 = arith.cmpi ne, %convert_element_type3A, %cond3A : i32
        scf.if %cond3A_162 {
          "tpu.trace_start"() <{level = 10 : i32, message = "ep_copy_in"}> : () -> ()
          %rem3A_264 = arith.constant 2 : i32
          %rem3A_265 = arith.remui %scan3A_122, %rem3A_264 : i32
          %mul3A_266 = arith.constant 128 : i32
          %mul3A_267 = arith.muli %mul3A_266, %add3A_149 : i32
          %dma_start3A_268 = arith.constant 0 : i32
          %dma_start3A_269 = arith.constant 0 : i32
          %dma_start3A_270 = tpu.memref_slice %run_scoped3A[%rem3A_265, %dma_start3A_268, %dma_start3A_269] : memref<2x1x128xi32, #tpu.memory_space<vmem>> -> memref<1x1x128xi32, #tpu.memory_space<vmem>>
          %dma_start3A_271 = tpu.memref_squeeze %dma_start3A_270 : memref<1x1x128xi32, #tpu.memory_space<vmem>> -> memref<1x128xi32, #tpu.memory_space<vmem>>
          %dma_start3A_272 = arith.constant 0 : i32
          %dma_start3A_273 = tpu.memref_slice %arg3[%dma_start3A_272, %mul3A_267] : memref<1x8192xi32, #tpu.memory_space<hbm>> -> memref<1x128xi32, #tpu.memory_space<hbm>>
          %dma_start3A_274 = tpu.memref_slice %run_scoped3A_7[%rem3A_265] : memref<2x!tpu.dma_semaphore, #tpu.memory_space<semaphore_mem>> -> memref<1x!tpu.dma_semaphore, #tpu.memory_space<semaphore_mem>>
          %dma_start3A_275 = tpu.memref_squeeze %dma_start3A_274 : memref<1x!tpu.dma_semaphore, #tpu.memory_space<semaphore_mem>> -> memref<!tpu.dma_semaphore, #tpu.memory_space<semaphore_mem>>
          %dma_start3A_276 = arith.constant 0 : i32
          %dma_start3A_277 = arith.constant 0 : i32
          %dma_start3A_278 = tpu.memref_slice %run_scoped3A[%rem3A_265, %dma_start3A_276, %dma_start3A_277] : memref<2x1x128xi32, #tpu.memory_space<vmem>> -> memref<1x1x128xi32, #tpu.memory_space<vmem>>
          %dma_start3A_279 = tpu.memref_squeeze %dma_start3A_278 : memref<1x1x128xi32, #tpu.memory_space<vmem>> -> memref<1x128xi32, #tpu.memory_space<vmem>>
          %dma_start3A_280 = arith.constant 0 : i32
          %dma_start3A_281 = tpu.memref_slice %arg3[%dma_start3A_280, %mul3A_267] : memref<1x8192xi32, #tpu.memory_space<hbm>> -> memref<1x128xi32, #tpu.memory_space<hbm>>
          tpu.enqueue_dma source(%dma_start3A_281 : memref<1x128xi32, #tpu.memory_space<hbm>>) target(%dma_start3A_279 : memref<1x128xi32, #tpu.memory_space<vmem>>) target_semaphore(%dma_start3A_275 : memref<!tpu.dma_semaphore, #tpu.memory_space<semaphore_mem>>)
          "tpu.trace_stop"() : () -> ()
        } else {
        }
        %and3A_163 = arith.constant true
        %and3A_164 = arith.andi %and3A, %and3A_163 : i1
        %add3A_165 = arith.constant 1 : i32
        %add3A_166 = arith.addi %scan3A_122, %add3A_165 : i32
        %select_n3A_167 = arith.select %and3A_164, %add3A_166, %scan3A_122 : i32
        %ne3A_168 = arith.cmpi ne, %add3A_131, %add3A_149 : i32
        %or3A_169 = arith.constant false
        %or3A_170 = arith.ori %or3A_169, %ne3A_168 : i1
        %or3A_171 = arith.constant false
        %or3A_172 = arith.ori %or3A_170, %or3A_171 : i1
        %ge3A_173 = arith.constant 1 : i32
        %ge3A_174 = arith.cmpi sge, %scan3A_121, %ge3A_173 : i32
        %not3A_175 = arith.constant true
        %not3A_176 = arith.xori %ge3A_174, %not3A_175 : i1
        %and3A_177 = arith.andi %or3A_172, %not3A_176 : i1
        %ne3A_178 = arith.cmpi ne, %add3A_131, %add3A_140 : i32
        %or3A_179 = arith.constant false
        %or3A_180 = arith.ori %or3A_179, %ne3A_178 : i1
        %or3A_181 = arith.ori %or3A_180, %eq3A_128 : i1
        %convert_element_type3A_182 = arith.extui %or3A_181 : i1 to i32
        %cond3A_183 = arith.constant 0 : i32
        %cond3A_184 = arith.cmpi ne, %convert_element_type3A_182, %cond3A_183 : i32
        scf.if %cond3A_184 {
          "tpu.trace_start"() <{level = 10 : i32, message = "ep_wait_in"}> : () -> ()
          %mul3A_264 = arith.constant 128 : i32
          %mul3A_265 = arith.muli %mul3A_264, %add3A_131 : i32
          %rem3A_266 = arith.constant 2 : i32
          %rem3A_267 = arith.remui %scan3A_123, %rem3A_266 : i32
          %dma_wait3A_268 = arith.constant 0 : i32
          %dma_wait3A_269 = arith.constant 0 : i32
          %dma_wait3A_270 = tpu.memref_slice %run_scoped3A[%rem3A_267, %dma_wait3A_268, %dma_wait3A_269] : memref<2x1x128xi32, #tpu.memory_space<vmem>> -> memref<1x1x128xi32, #tpu.memory_space<vmem>>
          %dma_wait3A_271 = tpu.memref_squeeze %dma_wait3A_270 : memref<1x1x128xi32, #tpu.memory_space<vmem>> -> memref<1x128xi32, #tpu.memory_space<vmem>>
          %dma_wait3A_272 = arith.constant 0 : i32
          %dma_wait3A_273 = tpu.memref_slice %arg3[%dma_wait3A_272, %mul3A_265] : memref<1x8192xi32, #tpu.memory_space<hbm>> -> memref<1x128xi32, #tpu.memory_space<hbm>>
          %dma_wait3A_274 = tpu.memref_slice %run_scoped3A_7[%rem3A_267] : memref<2x!tpu.dma_semaphore, #tpu.memory_space<semaphore_mem>> -> memref<1x!tpu.dma_semaphore, #tpu.memory_space<semaphore_mem>>
          %dma_wait3A_275 = tpu.memref_squeeze %dma_wait3A_274 : memref<1x!tpu.dma_semaphore, #tpu.memory_space<semaphore_mem>> -> memref<!tpu.dma_semaphore, #tpu.memory_space<semaphore_mem>>
          %dma_wait3A_276 = arith.constant 0 : i32
          %dma_wait3A_277 = arith.constant 0 : i32
          %dma_wait3A_278 = tpu.memref_slice %run_scoped3A[%rem3A_267, %dma_wait3A_276, %dma_wait3A_277] : memref<2x1x128xi32, #tpu.memory_space<vmem>> -> memref<1x1x128xi32, #tpu.memory_space<vmem>>
          %dma_wait3A_279 = tpu.memref_squeeze %dma_wait3A_278 : memref<1x1x128xi32, #tpu.memory_space<vmem>> -> memref<1x128xi32, #tpu.memory_space<vmem>>
          %dma_wait3A_280 = arith.constant 0 : i32
          %dma_wait3A_281 = tpu.memref_slice %arg3[%dma_wait3A_280, %mul3A_265] : memref<1x8192xi32, #tpu.memory_space<hbm>> -> memref<1x128xi32, #tpu.memory_space<hbm>>
          tpu.wait_dma2 semaphore(%dma_wait3A_275 : memref<!tpu.dma_semaphore, #tpu.memory_space<semaphore_mem>>) src(%dma_wait3A_281 : memref<1x128xi32, #tpu.memory_space<hbm>>) dst(%dma_wait3A_279 : memref<1x128xi32, #tpu.memory_space<vmem>>)
          "tpu.trace_stop"() : () -> ()
        } else {
        }
        %ne3A_185 = arith.cmpi ne, %add3A_131, %add3A_140 : i32
        %or3A_186 = arith.constant false
        %or3A_187 = arith.ori %or3A_186, %ne3A_185 : i1
        %or3A_188 = arith.constant false
        %or3A_189 = arith.ori %or3A_187, %or3A_188 : i1
        %or3A_190 = arith.ori %or3A_189, %eq3A_128 : i1
        %convert_element_type3A_191 = arith.extui %or3A_190 : i1 to i32
        %cond3A_192 = arith.constant 0 : i32
        %cond3A_193 = arith.cmpi ne, %convert_element_type3A_191, %cond3A_192 : i32
        scf.if %cond3A_193 {
        } else {
        }
        %rem3A_194 = arith.constant 2 : i32
        %rem3A_195 = arith.remui %scan3A_123, %rem3A_194 : i32
        %rem3A_196 = arith.constant 2 : i32
        %rem3A_197 = arith.remui %scan3A_124, %rem3A_196 : i32
        %run_scoped3A_198 = arith.constant 0 : i32
        "tpu.trace_start"() <{level = 10 : i32, message = "ep_run_kernel"}> : () -> ()
        "tpu.region"() ({
          %run_scoped3A_264 = tpu.sem_alloc : memref<!tpu.dma_semaphore, #tpu.memory_space<semaphore_mem>>
          %dma_start3A_265 = arith.constant 0 : i32
          %dma_start3A_266 = arith.constant 0 : i32
          %dma_start3A_267 = tpu.memref_slice %run_scoped3A_8[%rem3A_197, %dma_start3A_265, %dma_start3A_266] : memref<2x128x256xf32, #tpu.memory_space<vmem>> -> memref<1x128x256xf32, #tpu.memory_space<vmem>>
          %dma_start3A_268 = tpu.memref_squeeze %dma_start3A_267 : memref<1x128x256xf32, #tpu.memory_space<vmem>> -> memref<128x256xf32, #tpu.memory_space<vmem>>
          %dma_start3A_269 = arith.constant 0 : i32
          %dma_start3A_270 = arith.constant 0 : i32
          %dma_start3A_271 = tpu.memref_slice %run_scoped3A[%rem3A_195, %dma_start3A_269, %dma_start3A_270] : memref<2x1x128xi32, #tpu.memory_space<vmem>> -> memref<1x1x128xi32, #tpu.memory_space<vmem>>
          %dma_start3A_272 = tpu.memref_squeeze %dma_start3A_271 : memref<1x1x128xi32, #tpu.memory_space<vmem>> -> memref<1x128xi32, #tpu.memory_space<vmem>>
          %dma_start3A_273 = arith.constant 0 : i32
          %dma_start3A_274 = tpu.memref_slice %dma_start3A_272[%run_scoped3A_198, %dma_start3A_273] : memref<1x128xi32, #tpu.memory_space<vmem>> -> memref<1x128xi32, #tpu.memory_space<vmem>>
          %dma_start3A_275 = tpu.memref_squeeze %dma_start3A_274 : memref<1x128xi32, #tpu.memory_space<vmem>> -> memref<128xi32, #tpu.memory_space<vmem>>
          %dma_start3A_276 = arith.constant 0 : i32
          %dma_start3A_277 = arith.constant 0 : i32
          %dma_start3A_278 = tpu.memref_slice %arg2[%dma_start3A_276, %dma_start3A_277] : memref<8192x256xf32, #tpu.memory_space<hbm>> -> memref<8192x256xf32, #tpu.memory_space<hbm>>
          tpu.enqueue_indirect_dma source(%dma_start3A_278 : memref<8192x256xf32, #tpu.memory_space<hbm>>) target(%dma_start3A_268 : memref<128x256xf32, #tpu.memory_space<vmem>>) offsets(%dma_start3A_275 : memref<128xi32, #tpu.memory_space<vmem>>) semaphore(%run_scoped3A_264 : memref<!tpu.dma_semaphore, #tpu.memory_space<semaphore_mem>>)
          %dma_wait3A_279 = arith.constant 0 : i32
          %dma_wait3A_280 = arith.constant 0 : i32
          %dma_wait3A_281 = tpu.memref_slice %run_scoped3A_8[%rem3A_197, %dma_wait3A_279, %dma_wait3A_280] : memref<2x128x256xf32, #tpu.memory_space<vmem>> -> memref<1x128x256xf32, #tpu.memory_space<vmem>>
          %dma_wait3A_282 = tpu.memref_squeeze %dma_wait3A_281 : memref<1x128x256xf32, #tpu.memory_space<vmem>> -> memref<128x256xf32, #tpu.memory_space<vmem>>
          %dma_wait3A_283 = arith.constant 0 : i32
          %dma_wait3A_284 = arith.constant 0 : i32
          %dma_wait3A_285 = tpu.memref_slice %run_scoped3A[%rem3A_195, %dma_wait3A_283, %dma_wait3A_284] : memref<2x1x128xi32, #tpu.memory_space<vmem>> -> memref<1x1x128xi32, #tpu.memory_space<vmem>>
          %dma_wait3A_286 = tpu.memref_squeeze %dma_wait3A_285 : memref<1x1x128xi32, #tpu.memory_space<vmem>> -> memref<1x128xi32, #tpu.memory_space<vmem>>
          %dma_wait3A_287 = arith.constant 0 : i32
          %dma_wait3A_288 = tpu.memref_slice %dma_wait3A_286[%run_scoped3A_198, %dma_wait3A_287] : memref<1x128xi32, #tpu.memory_space<vmem>> -> memref<1x128xi32, #tpu.memory_space<vmem>>
          %dma_wait3A_289 = tpu.memref_squeeze %dma_wait3A_288 : memref<1x128xi32, #tpu.memory_space<vmem>> -> memref<128xi32, #tpu.memory_space<vmem>>
          %dma_wait3A_290 = arith.constant 0 : i32
          %dma_wait3A_291 = arith.constant 0 : i32
          %dma_wait3A_292 = tpu.memref_slice %arg2[%dma_wait3A_290, %dma_wait3A_291] : memref<8192x256xf32, #tpu.memory_space<hbm>> -> memref<8192x256xf32, #tpu.memory_space<hbm>>
          tpu.wait_indirect_dma semaphore(%run_scoped3A_264 : memref<!tpu.dma_semaphore, #tpu.memory_space<semaphore_mem>>) src(%dma_wait3A_292 : memref<8192x256xf32, #tpu.memory_space<hbm>>) dst(%dma_wait3A_282 : memref<128x256xf32, #tpu.memory_space<vmem>>)
          tpu.yield
        }) : () -> ()
        "tpu.trace_stop"() : () -> ()
        %ne3A_199 = arith.cmpi ne, %add3A_131, %add3A_149 : i32
        %or3A_200 = arith.constant false
        %or3A_201 = arith.ori %or3A_200, %ne3A_199 : i1
        %or3A_202 = arith.ori %or3A_201, %eq3A_130 : i1
        %convert_element_type3A_203 = arith.extui %or3A_202 : i1 to i32
        %cond3A_204 = arith.constant 0 : i32
        %cond3A_205 = arith.cmpi ne, %convert_element_type3A_203, %cond3A_204 : i32
        scf.if %cond3A_205 {
        } else {
        }
        %and3A_206 = arith.constant false
        %and3A_207 = arith.andi %or3A_202, %and3A_206 : i1
        %ne3A_208 = arith.cmpi ne, %add3A_131, %add3A_149 : i32
        %or3A_209 = arith.constant false
        %or3A_210 = arith.ori %or3A_209, %ne3A_208 : i1
        %or3A_211 = arith.constant false
        %or3A_212 = arith.ori %or3A_210, %or3A_211 : i1
        %or3A_213 = arith.ori %or3A_212, %eq3A_130 : i1
        %convert_element_type3A_214 = arith.extui %or3A_213 : i1 to i32
        %cond3A_215 = arith.constant 0 : i32
        %cond3A_216 = arith.cmpi ne, %convert_element_type3A_214, %cond3A_215 : i32
        scf.if %cond3A_216 {
          "tpu.trace_start"() <{level = 10 : i32, message = "ep_copy_out"}> : () -> ()
          %rem3A_264 = arith.constant 2 : i32
          %rem3A_265 = arith.remui %scan3A_124, %rem3A_264 : i32
          %mul3A_266 = arith.constant 128 : i32
          %mul3A_267 = arith.muli %mul3A_266, %add3A_131 : i32
          %dma_start3A_268 = arith.constant 0 : i32
          %dma_start3A_269 = arith.constant 0 : i32
          %dma_start3A_270 = tpu.memref_slice %run_scoped3A_8[%rem3A_265, %dma_start3A_268, %dma_start3A_269] : memref<2x128x256xf32, #tpu.memory_space<vmem>> -> memref<1x128x256xf32, #tpu.memory_space<vmem>>
          %dma_start3A_271 = tpu.memref_squeeze %dma_start3A_270 : memref<1x128x256xf32, #tpu.memory_space<vmem>> -> memref<128x256xf32, #tpu.memory_space<vmem>>
          %dma_start3A_272 = arith.constant 0 : i32
          %dma_start3A_273 = tpu.memref_slice %arg4[%mul3A_267, %dma_start3A_272] : memref<8192x256xf32, #tpu.memory_space<hbm>> -> memref<128x256xf32, #tpu.memory_space<hbm>>
          %dma_start3A_274 = tpu.memref_slice %run_scoped3A_9[%rem3A_265] : memref<2x!tpu.dma_semaphore, #tpu.memory_space<semaphore_mem>> -> memref<1x!tpu.dma_semaphore, #tpu.memory_space<semaphore_mem>>
          %dma_start3A_275 = tpu.memref_squeeze %dma_start3A_274 : memref<1x!tpu.dma_semaphore, #tpu.memory_space<semaphore_mem>> -> memref<!tpu.dma_semaphore, #tpu.memory_space<semaphore_mem>>
          %dma_start3A_276 = arith.constant 0 : i32
          %dma_start3A_277 = tpu.memref_slice %arg4[%mul3A_267, %dma_start3A_276] : memref<8192x256xf32, #tpu.memory_space<hbm>> -> memref<128x256xf32, #tpu.memory_space<hbm>>
          %dma_start3A_278 = arith.constant 0 : i32
          %dma_start3A_279 = arith.constant 0 : i32
          %dma_start3A_280 = tpu.memref_slice %run_scoped3A_8[%rem3A_265, %dma_start3A_278, %dma_start3A_279] : memref<2x128x256xf32, #tpu.memory_space<vmem>> -> memref<1x128x256xf32, #tpu.memory_space<vmem>>
          %dma_start3A_281 = tpu.memref_squeeze %dma_start3A_280 : memref<1x128x256xf32, #tpu.memory_space<vmem>> -> memref<128x256xf32, #tpu.memory_space<vmem>>
          tpu.enqueue_dma source(%dma_start3A_281 : memref<128x256xf32, #tpu.memory_space<vmem>>) target(%dma_start3A_277 : memref<128x256xf32, #tpu.memory_space<hbm>>) target_semaphore(%dma_start3A_275 : memref<!tpu.dma_semaphore, #tpu.memory_space<semaphore_mem>>)
          "tpu.trace_stop"() : () -> ()
        } else {
        }
        %and3A_217 = arith.constant true
        %and3A_218 = arith.andi %or3A_213, %and3A_217 : i1
        %add3A_219 = arith.constant 1 : i32
        %add3A_220 = arith.addi %scan3A_124, %add3A_219 : i32
        %select_n3A_221 = arith.select %and3A_218, %add3A_220, %scan3A_124 : i32
        %ne3A_222 = arith.cmpi ne, %add3A_131, %add3A_140 : i32
        %or3A_223 = arith.constant false
        %or3A_224 = arith.ori %or3A_223, %ne3A_222 : i1
        %not3A_225 = arith.constant true
        %not3A_226 = arith.xori %eq3A_128, %not3A_225 : i1
        %and3A_227 = arith.andi %or3A_224, %not3A_226 : i1
        %convert_element_type3A_228 = arith.extui %and3A_227 : i1 to i32
        %cond3A_229 = arith.constant 0 : i32
        %cond3A_230 = arith.cmpi ne, %convert_element_type3A_228, %cond3A_229 : i32
        scf.if %cond3A_230 {
        } else {
        }
        %and3A_231 = arith.constant false
        %and3A_232 = arith.andi %and3A_227, %and3A_231 : i1
        %ne3A_233 = arith.cmpi ne, %add3A_131, %add3A_140 : i32
        %or3A_234 = arith.constant false
        %or3A_235 = arith.ori %or3A_234, %ne3A_233 : i1
        %or3A_236 = arith.constant false
        %or3A_237 = arith.ori %or3A_235, %or3A_236 : i1
        %not3A_238 = arith.constant true
        %not3A_239 = arith.xori %eq3A_128, %not3A_238 : i1
        %and3A_240 = arith.andi %or3A_237, %not3A_239 : i1
        %convert_element_type3A_241 = arith.extui %and3A_240 : i1 to i32
        %cond3A_242 = arith.constant 0 : i32
        %cond3A_243 = arith.cmpi ne, %convert_element_type3A_241, %cond3A_242 : i32
        scf.if %cond3A_243 {
          "tpu.trace_start"() <{level = 10 : i32, message = "ep_wait_out"}> : () -> ()
          %rem3A_264 = arith.constant 2 : i32
          %rem3A_265 = arith.remui %scan3A_125, %rem3A_264 : i32
          %mul3A_266 = arith.constant 128 : i32
          %mul3A_267 = arith.muli %mul3A_266, %add3A_140 : i32
          %dma_wait3A_268 = arith.constant 0 : i32
          %dma_wait3A_269 = arith.constant 0 : i32
          %dma_wait3A_270 = tpu.memref_slice %run_scoped3A_8[%rem3A_265, %dma_wait3A_268, %dma_wait3A_269] : memref<2x128x256xf32, #tpu.memory_space<vmem>> -> memref<1x128x256xf32, #tpu.memory_space<vmem>>
          %dma_wait3A_271 = tpu.memref_squeeze %dma_wait3A_270 : memref<1x128x256xf32, #tpu.memory_space<vmem>> -> memref<128x256xf32, #tpu.memory_space<vmem>>
          %dma_wait3A_272 = arith.constant 0 : i32
          %dma_wait3A_273 = tpu.memref_slice %arg4[%mul3A_267, %dma_wait3A_272] : memref<8192x256xf32, #tpu.memory_space<hbm>> -> memref<128x256xf32, #tpu.memory_space<hbm>>
          %dma_wait3A_274 = tpu.memref_slice %run_scoped3A_9[%rem3A_265] : memref<2x!tpu.dma_semaphore, #tpu.memory_space<semaphore_mem>> -> memref<1x!tpu.dma_semaphore, #tpu.memory_space<semaphore_mem>>
          %dma_wait3A_275 = tpu.memref_squeeze %dma_wait3A_274 : memref<1x!tpu.dma_semaphore, #tpu.memory_space<semaphore_mem>> -> memref<!tpu.dma_semaphore, #tpu.memory_space<semaphore_mem>>
          %dma_wait3A_276 = arith.constant 0 : i32
          %dma_wait3A_277 = tpu.memref_slice %arg4[%mul3A_267, %dma_wait3A_276] : memref<8192x256xf32, #tpu.memory_space<hbm>> -> memref<128x256xf32, #tpu.memory_space<hbm>>
          %dma_wait3A_278 = arith.constant 0 : i32
          %dma_wait3A_279 = arith.constant 0 : i32
          %dma_wait3A_280 = tpu.memref_slice %run_scoped3A_8[%rem3A_265, %dma_wait3A_278, %dma_wait3A_279] : memref<2x128x256xf32, #tpu.memory_space<vmem>> -> memref<1x128x256xf32, #tpu.memory_space<vmem>>
          %dma_wait3A_281 = tpu.memref_squeeze %dma_wait3A_280 : memref<1x128x256xf32, #tpu.memory_space<vmem>> -> memref<128x256xf32, #tpu.memory_space<vmem>>
          tpu.wait_dma2 semaphore(%dma_wait3A_275 : memref<!tpu.dma_semaphore, #tpu.memory_space<semaphore_mem>>) src(%dma_wait3A_281 : memref<128x256xf32, #tpu.memory_space<vmem>>) dst(%dma_wait3A_277 : memref<128x256xf32, #tpu.memory_space<hbm>>)
          "tpu.trace_stop"() : () -> ()
        } else {
        }
        %and3A_244 = arith.constant true
        %and3A_245 = arith.andi %and3A_240, %and3A_244 : i1
        %add3A_246 = arith.constant 1 : i32
        %add3A_247 = arith.addi %scan3A_125, %add3A_246 : i32
        %select_n3A_248 = arith.select %and3A_245, %add3A_247, %scan3A_125 : i32
        %ne3A_249 = arith.cmpi ne, %add3A_131, %add3A_149 : i32
        %or3A_250 = arith.constant false
        %or3A_251 = arith.ori %or3A_250, %ne3A_249 : i1
        %or3A_252 = arith.ori %or3A_251, %eq3A_130 : i1
        %add3A_253 = arith.constant 1 : i32
        %add3A_254 = arith.addi %scan3A_123, %add3A_253 : i32
        %select_n3A_255 = arith.select %or3A_252, %add3A_254, %scan3A_123 : i32
        %add3A_256 = arith.constant 1 : i32
        %add3A_257 = arith.addi %scan3A_126, %add3A_256 : i32
        %select_n3A_258 = arith.constant true
        %select_n3A_259 = arith.select %select_n3A_258, %add3A_257, %scan3A_126 : i32
        %eq3A_260 = arith.constant 2 : i32
        %eq3A_261 = arith.cmpi eq, %select_n3A_259, %eq3A_260 : i32
        %select_n3A_262 = arith.constant 0 : i32
        %select_n3A_263 = arith.select %eq3A_261, %select_n3A_262, %select_n3A_259 : i32
        scf.yield %select_n3A_167, %select_n3A_255, %select_n3A_221, %select_n3A_248, %select_n3A_263 : i32, i32, i32, i32, i32
      }
      %scan3A_68 = arith.constant 2 : i32
      %sub3A = arith.constant 1 : i32
      %sub3A_69 = arith.subi %scan3A_67#4, %sub3A : i32
      %select_n3A_70 = arith.constant true
      %select_n3A_71 = arith.select %select_n3A_70, %sub3A_69, %scan3A_67#4 : i32
      %eq3A_72 = arith.constant -1 : i32
      %eq3A_73 = arith.cmpi eq, %select_n3A_71, %eq3A_72 : i32
      %select_n3A_74 = arith.constant 1 : i32
      %select_n3A_75 = arith.select %eq3A_73, %select_n3A_74, %select_n3A_71 : i32
      %add3A_76 = arith.addi %select_n3A_75, %mul3A_6 : i32
      %sub3A_77 = arith.constant 1 : i32
      %sub3A_78 = arith.subi %select_n3A_75, %sub3A_77 : i32
      %select_n3A_79 = arith.constant true
      %select_n3A_80 = arith.select %select_n3A_79, %sub3A_78, %select_n3A_75 : i32
      %eq3A_81 = arith.constant -1 : i32
      %eq3A_82 = arith.cmpi eq, %select_n3A_80, %eq3A_81 : i32
      %select_n3A_83 = arith.constant 1 : i32
      %select_n3A_84 = arith.select %eq3A_82, %select_n3A_83, %select_n3A_80 : i32
      %add3A_85 = arith.addi %select_n3A_84, %mul3A_6 : i32
      %add3A_86 = arith.constant 1 : i32
      %add3A_87 = arith.addi %select_n3A_75, %add3A_86 : i32
      %select_n3A_88 = arith.constant true
      %select_n3A_89 = arith.select %select_n3A_88, %add3A_87, %select_n3A_75 : i32
      %eq3A_90 = arith.constant 2 : i32
      %eq3A_91 = arith.cmpi eq, %select_n3A_89, %eq3A_90 : i32
      %select_n3A_92 = arith.constant 0 : i32
      %select_n3A_93 = arith.select %eq3A_91, %select_n3A_92, %select_n3A_89 : i32
      %add3A_94 = arith.addi %select_n3A_93, %mul3A_6 : i32
      %add3A_95 = arith.constant 1 : i32
      %add3A_96 = arith.addi %select_n3A_93, %add3A_95 : i32
      %select_n3A_97 = arith.constant true
      %select_n3A_98 = arith.select %select_n3A_97, %add3A_96, %select_n3A_93 : i32
      %eq3A_99 = arith.constant 2 : i32
      %eq3A_100 = arith.cmpi eq, %select_n3A_98, %eq3A_99 : i32
      %select_n3A_101 = arith.constant 0 : i32
      %select_n3A_102 = arith.select %eq3A_100, %select_n3A_101, %select_n3A_98 : i32
      %add3A_103 = arith.addi %select_n3A_102, %mul3A_6 : i32
      "tpu.trace_start"() <{level = 10 : i32, message = "ep_finalize"}> : () -> ()
      %rem3A_104 = arith.constant 2 : i32
      %rem3A_105 = arith.remui %scan3A_67#3, %rem3A_104 : i32
      %mul3A_106 = arith.constant 128 : i32
      %mul3A_107 = arith.muli %mul3A_106, %add3A_76 : i32
      %dma_wait3A = arith.constant 0 : i32
      %dma_wait3A_108 = arith.constant 0 : i32
      %dma_wait3A_109 = tpu.memref_slice %run_scoped3A_8[%rem3A_105, %dma_wait3A, %dma_wait3A_108] : memref<2x128x256xf32, #tpu.memory_space<vmem>> -> memref<1x128x256xf32, #tpu.memory_space<vmem>>
      %dma_wait3A_110 = tpu.memref_squeeze %dma_wait3A_109 : memref<1x128x256xf32, #tpu.memory_space<vmem>> -> memref<128x256xf32, #tpu.memory_space<vmem>>
      %dma_wait3A_111 = arith.constant 0 : i32
      %dma_wait3A_112 = tpu.memref_slice %arg4[%mul3A_107, %dma_wait3A_111] : memref<8192x256xf32, #tpu.memory_space<hbm>> -> memref<128x256xf32, #tpu.memory_space<hbm>>
      %dma_wait3A_113 = tpu.memref_slice %run_scoped3A_9[%rem3A_105] : memref<2x!tpu.dma_semaphore, #tpu.memory_space<semaphore_mem>> -> memref<1x!tpu.dma_semaphore, #tpu.memory_space<semaphore_mem>>
      %dma_wait3A_114 = tpu.memref_squeeze %dma_wait3A_113 : memref<1x!tpu.dma_semaphore, #tpu.memory_space<semaphore_mem>> -> memref<!tpu.dma_semaphore, #tpu.memory_space<semaphore_mem>>
      %dma_wait3A_115 = arith.constant 0 : i32
      %dma_wait3A_116 = tpu.memref_slice %arg4[%mul3A_107, %dma_wait3A_115] : memref<8192x256xf32, #tpu.memory_space<hbm>> -> memref<128x256xf32, #tpu.memory_space<hbm>>
      %dma_wait3A_117 = arith.constant 0 : i32
      %dma_wait3A_118 = arith.constant 0 : i32
      %dma_wait3A_119 = tpu.memref_slice %run_scoped3A_8[%rem3A_105, %dma_wait3A_117, %dma_wait3A_118] : memref<2x128x256xf32, #tpu.memory_space<vmem>> -> memref<1x128x256xf32, #tpu.memory_space<vmem>>
      %dma_wait3A_120 = tpu.memref_squeeze %dma_wait3A_119 : memref<1x128x256xf32, #tpu.memory_space<vmem>> -> memref<128x256xf32, #tpu.memory_space<vmem>>
      tpu.wait_dma2 semaphore(%dma_wait3A_114 : memref<!tpu.dma_semaphore, #tpu.memory_space<semaphore_mem>>) src(%dma_wait3A_120 : memref<128x256xf32, #tpu.memory_space<vmem>>) dst(%dma_wait3A_116 : memref<128x256xf32, #tpu.memory_space<hbm>>)
      "tpu.trace_stop"() : () -> ()
      tpu.yield
    }) : () -> ()
    return
  }
}

module attributes {stable_mosaic.version = 14 : i64} {
  func.func @_dist_body(%arg0: i32, %arg1: memref<512x256xf32, #tpu.memory_space<vmem>>, %arg2: memref<8192x256xbf16, #tpu.memory_space<vmem>>, %arg3: memref<1x8192xf32, #tpu.memory_space<vmem>>, %arg4: memref<512x1xi32, #tpu.memory_space<vmem>>, %arg5: memref<512x1xf32, #tpu.memory_space<vmem>>, %arg6: memref<1x1xf32, #tpu.memory_space<vmem>>) attributes {dimension_semantics = [#tpu.dimension_semantics<arbitrary>], iteration_bounds = array<i64: 16>, scalar_prefetch = 0 : i64, scratch_operands = 0 : i64, tpu.core_type = #tpu.core_type<tc>, window_params = [{transform_indices = @transform_0, window_bounds = array<i64: 512, 256>}, {pipeline_mode = #tpu.pipeline_mode<synchronous>, transform_indices = @transform_1, window_bounds = array<i64: 8192, 256>}, {pipeline_mode = #tpu.pipeline_mode<synchronous>, transform_indices = @transform_2, window_bounds = array<i64: 1, 8192>}, {transform_indices = @transform_3, window_bounds = array<i64: 512, 1>}, {transform_indices = @transform_4, window_bounds = array<i64: 512, 1>}, {pipeline_mode = #tpu.pipeline_mode<synchronous>, transform_indices = @transform_5, window_bounds = array<i64: 1, 1>}]} {
    %get3A = arith.constant 0 : index
    %get3A_0 = arith.constant 0 : index
    %get3A_1 = vector.load %arg1[%get3A, %get3A_0] : memref<512x256xf32, #tpu.memory_space<vmem>>, vector<512x256xf32>
    %mul3A = arith.mulf %get3A_1, %get3A_1 : vector<512x256xf32>
    %reduce_sum3A = arith.constant dense<0.000000e+00> : vector<512xf32>
    %reduce_sum3A_2 = vector.multi_reduction <add>, %mul3A, %reduce_sum3A [1] : vector<512x256xf32> to vector<512xf32>
    %broadcast_in_dim3A = vector.shape_cast %reduce_sum3A_2 : vector<512xf32> to vector<512x1xf32>
    %mul3A_3 = arith.constant -2.000000e+00 : f32
    %mul3A_4 = vector.broadcast %mul3A_3 : f32 to vector<512x256xf32>
    %mul3A_5 = arith.mulf %mul3A_4, %get3A_1 : vector<512x256xf32>
    %convert_element_type3A = arith.truncf %mul3A_5 : vector<512x256xf32> to vector<512x256xbf16>
    %iota3A = tpu.iota {dimensions = array<i32: 1>} : vector<512x128xi32>
    %convert_element_type3A_6 = arith.sitofp %iota3A : vector<512x128xi32> to vector<512x128xf32>
    %get3A_7 = arith.constant 0 : index
    %get3A_8 = arith.constant 0 : index
    %get3A_9 = vector.load %arg2[%get3A_7, %get3A_8] : memref<8192x256xbf16, #tpu.memory_space<vmem>>, vector<1024x256xbf16>
    %dot_general3A = arith.constant dense<0.000000e+00> : vector<512x1024xf32>
    %dot_general3A_10 = tpu.matmul %convert_element_type3A, %get3A_9, %dot_general3A {dimension_numbers = #tpu.dot_dimension_numbers<[1], [1], [0], [0], [0, 0, 1, 0], [], []>, transpose_lhs_hint = false} : vector<512x256xbf16>, vector<1024x256xbf16>, vector<512x1024xf32> -> vector<512x1024xf32>
    %get3A_11 = arith.constant 0 : index
    %get3A_12 = arith.constant 0 : index
    %get3A_13 = vector.load %arg3[%get3A_11, %get3A_12] : memref<1x8192xf32, #tpu.memory_space<vmem>>, vector<1x128xf32>
    %slice3A = vector.extract_strided_slice %dot_general3A_10 {offsets = [0, 0], sizes = [512, 128], strides = [1, 1]} : vector<512x1024xf32> to vector<512x128xf32>
    %add3A = vector.broadcast %get3A_13 : vector<1x128xf32> to vector<512x128xf32>
    %add3A_14 = arith.addf %add3A, %slice3A : vector<512x128xf32>
    %broadcast_in_dim3A_15 = arith.constant 0.000000e+00 : f32
    %broadcast_in_dim3A_16 = vector.broadcast %broadcast_in_dim3A_15 : f32 to vector<512x128xf32>
    %get3A_17 = arith.constant 0 : index
    %get3A_18 = arith.constant 128 : index
    %get3A_19 = vector.load %arg3[%get3A_17, %get3A_18] : memref<1x8192xf32, #tpu.memory_space<vmem>>, vector<1x128xf32>
    %slice3A_20 = vector.extract_strided_slice %dot_general3A_10 {offsets = [0, 128], sizes = [512, 128], strides = [1, 1]} : vector<512x1024xf32> to vector<512x128xf32>
    %add3A_21 = vector.broadcast %get3A_19 : vector<1x128xf32> to vector<512x128xf32>
    %add3A_22 = arith.addf %add3A_21, %slice3A_20 : vector<512x128xf32>
    %lt3A = arith.cmpf olt, %add3A_22, %add3A_14 : vector<512x128xf32>
    %select_n3A = arith.select %lt3A, %add3A_22, %add3A_14 : vector<512x128xi1>, vector<512x128xf32>
    %jit3A = arith.constant 1.000000e+00 : f32
    %broadcast_in_dim3A_23 = vector.broadcast %jit3A : f32 to vector<512x128xf32>
    %select_n3A_24 = arith.select %lt3A, %broadcast_in_dim3A_23, %broadcast_in_dim3A_16 : vector<512x128xi1>, vector<512x128xf32>
    %get3A_25 = arith.constant 0 : index
    %get3A_26 = arith.constant 256 : index
    %get3A_27 = vector.load %arg3[%get3A_25, %get3A_26] : memref<1x8192xf32, #tpu.memory_space<vmem>>, vector<1x128xf32>
    %slice3A_28 = vector.extract_strided_slice %dot_general3A_10 {offsets = [0, 256], sizes = [512, 128], strides = [1, 1]} : vector<512x1024xf32> to vector<512x128xf32>
    %add3A_29 = vector.broadcast %get3A_27 : vector<1x128xf32> to vector<512x128xf32>
    %add3A_30 = arith.addf %add3A_29, %slice3A_28 : vector<512x128xf32>
    %lt3A_31 = arith.cmpf olt, %add3A_30, %select_n3A : vector<512x128xf32>
    %select_n3A_32 = arith.select %lt3A_31, %add3A_30, %select_n3A : vector<512x128xi1>, vector<512x128xf32>
    %jit3A_33 = arith.constant 2.000000e+00 : f32
    %broadcast_in_dim3A_34 = vector.broadcast %jit3A_33 : f32 to vector<512x128xf32>
    %select_n3A_35 = arith.select %lt3A_31, %broadcast_in_dim3A_34, %select_n3A_24 : vector<512x128xi1>, vector<512x128xf32>
    %get3A_36 = arith.constant 0 : index
    %get3A_37 = arith.constant 384 : index
    %get3A_38 = vector.load %arg3[%get3A_36, %get3A_37] : memref<1x8192xf32, #tpu.memory_space<vmem>>, vector<1x128xf32>
    %slice3A_39 = vector.extract_strided_slice %dot_general3A_10 {offsets = [0, 384], sizes = [512, 128], strides = [1, 1]} : vector<512x1024xf32> to vector<512x128xf32>
    %add3A_40 = vector.broadcast %get3A_38 : vector<1x128xf32> to vector<512x128xf32>
    %add3A_41 = arith.addf %add3A_40, %slice3A_39 : vector<512x128xf32>
    %lt3A_42 = arith.cmpf olt, %add3A_41, %select_n3A_32 : vector<512x128xf32>
    %select_n3A_43 = arith.select %lt3A_42, %add3A_41, %select_n3A_32 : vector<512x128xi1>, vector<512x128xf32>
    %jit3A_44 = arith.constant 3.000000e+00 : f32
    %broadcast_in_dim3A_45 = vector.broadcast %jit3A_44 : f32 to vector<512x128xf32>
    %select_n3A_46 = arith.select %lt3A_42, %broadcast_in_dim3A_45, %select_n3A_35 : vector<512x128xi1>, vector<512x128xf32>
    %get3A_47 = arith.constant 0 : index
    %get3A_48 = arith.constant 512 : index
    %get3A_49 = vector.load %arg3[%get3A_47, %get3A_48] : memref<1x8192xf32, #tpu.memory_space<vmem>>, vector<1x128xf32>
    %slice3A_50 = vector.extract_strided_slice %dot_general3A_10 {offsets = [0, 512], sizes = [512, 128], strides = [1, 1]} : vector<512x1024xf32> to vector<512x128xf32>
    %add3A_51 = vector.broadcast %get3A_49 : vector<1x128xf32> to vector<512x128xf32>
    %add3A_52 = arith.addf %add3A_51, %slice3A_50 : vector<512x128xf32>
    %lt3A_53 = arith.cmpf olt, %add3A_52, %select_n3A_43 : vector<512x128xf32>
    %select_n3A_54 = arith.select %lt3A_53, %add3A_52, %select_n3A_43 : vector<512x128xi1>, vector<512x128xf32>
    %jit3A_55 = arith.constant 4.000000e+00 : f32
    %broadcast_in_dim3A_56 = vector.broadcast %jit3A_55 : f32 to vector<512x128xf32>
    %select_n3A_57 = arith.select %lt3A_53, %broadcast_in_dim3A_56, %select_n3A_46 : vector<512x128xi1>, vector<512x128xf32>
    %get3A_58 = arith.constant 0 : index
    %get3A_59 = arith.constant 640 : index
    %get3A_60 = vector.load %arg3[%get3A_58, %get3A_59] : memref<1x8192xf32, #tpu.memory_space<vmem>>, vector<1x128xf32>
    %slice3A_61 = vector.extract_strided_slice %dot_general3A_10 {offsets = [0, 640], sizes = [512, 128], strides = [1, 1]} : vector<512x1024xf32> to vector<512x128xf32>
    %add3A_62 = vector.broadcast %get3A_60 : vector<1x128xf32> to vector<512x128xf32>
    %add3A_63 = arith.addf %add3A_62, %slice3A_61 : vector<512x128xf32>
    %lt3A_64 = arith.cmpf olt, %add3A_63, %select_n3A_54 : vector<512x128xf32>
    %select_n3A_65 = arith.select %lt3A_64, %add3A_63, %select_n3A_54 : vector<512x128xi1>, vector<512x128xf32>
    %jit3A_66 = arith.constant 5.000000e+00 : f32
    %broadcast_in_dim3A_67 = vector.broadcast %jit3A_66 : f32 to vector<512x128xf32>
    %select_n3A_68 = arith.select %lt3A_64, %broadcast_in_dim3A_67, %select_n3A_57 : vector<512x128xi1>, vector<512x128xf32>
    %get3A_69 = arith.constant 0 : index
    %get3A_70 = arith.constant 768 : index
    %get3A_71 = vector.load %arg3[%get3A_69, %get3A_70] : memref<1x8192xf32, #tpu.memory_space<vmem>>, vector<1x128xf32>
    %slice3A_72 = vector.extract_strided_slice %dot_general3A_10 {offsets = [0, 768], sizes = [512, 128], strides = [1, 1]} : vector<512x1024xf32> to vector<512x128xf32>
    %add3A_73 = vector.broadcast %get3A_71 : vector<1x128xf32> to vector<512x128xf32>
    %add3A_74 = arith.addf %add3A_73, %slice3A_72 : vector<512x128xf32>
    %lt3A_75 = arith.cmpf olt, %add3A_74, %select_n3A_65 : vector<512x128xf32>
    %select_n3A_76 = arith.select %lt3A_75, %add3A_74, %select_n3A_65 : vector<512x128xi1>, vector<512x128xf32>
    %jit3A_77 = arith.constant 6.000000e+00 : f32
    %broadcast_in_dim3A_78 = vector.broadcast %jit3A_77 : f32 to vector<512x128xf32>
    %select_n3A_79 = arith.select %lt3A_75, %broadcast_in_dim3A_78, %select_n3A_68 : vector<512x128xi1>, vector<512x128xf32>
    %get3A_80 = arith.constant 0 : index
    %get3A_81 = arith.constant 896 : index
    %get3A_82 = vector.load %arg3[%get3A_80, %get3A_81] : memref<1x8192xf32, #tpu.memory_space<vmem>>, vector<1x128xf32>
    %slice3A_83 = vector.extract_strided_slice %dot_general3A_10 {offsets = [0, 896], sizes = [512, 128], strides = [1, 1]} : vector<512x1024xf32> to vector<512x128xf32>
    %add3A_84 = vector.broadcast %get3A_82 : vector<1x128xf32> to vector<512x128xf32>
    %add3A_85 = arith.addf %add3A_84, %slice3A_83 : vector<512x128xf32>
    %lt3A_86 = arith.cmpf olt, %add3A_85, %select_n3A_76 : vector<512x128xf32>
    %select_n3A_87 = arith.select %lt3A_86, %add3A_85, %select_n3A_76 : vector<512x128xi1>, vector<512x128xf32>
    %jit3A_88 = arith.constant 7.000000e+00 : f32
    %broadcast_in_dim3A_89 = vector.broadcast %jit3A_88 : f32 to vector<512x128xf32>
    %select_n3A_90 = arith.select %lt3A_86, %broadcast_in_dim3A_89, %select_n3A_79 : vector<512x128xi1>, vector<512x128xf32>
    %reduce_min3A = arith.constant dense<0x7F800000> : vector<512xf32>
    %reduce_min3A_91 = vector.multi_reduction <minimumf>, %select_n3A_87, %reduce_min3A [1] : vector<512x128xf32> to vector<512xf32>
    %broadcast_in_dim3A_92 = vector.shape_cast %reduce_min3A_91 : vector<512xf32> to vector<512x1xf32>
    %eq3A = vector.broadcast %broadcast_in_dim3A_92 : vector<512x1xf32> to vector<512x128xf32>
    %eq3A_93 = arith.cmpf oeq, %select_n3A_87, %eq3A : vector<512x128xf32>
    %mul3A_94 = arith.constant 1.280000e+02 : f32
    %mul3A_95 = vector.broadcast %mul3A_94 : f32 to vector<512x128xf32>
    %mul3A_96 = arith.mulf %select_n3A_90, %mul3A_95 : vector<512x128xf32>
    %add3A_97 = arith.addf %mul3A_96, %convert_element_type3A_6 : vector<512x128xf32>
    %jit3A_98 = arith.constant 1.024000e+03 : f32
    %broadcast_in_dim3A_99 = vector.broadcast %jit3A_98 : f32 to vector<512x128xf32>
    %select_n3A_100 = arith.select %eq3A_93, %add3A_97, %broadcast_in_dim3A_99 : vector<512x128xi1>, vector<512x128xf32>
    %reduce_min3A_101 = arith.constant dense<0x7F800000> : vector<512xf32>
    %reduce_min3A_102 = vector.multi_reduction <minimumf>, %select_n3A_100, %reduce_min3A_101 [1] : vector<512x128xf32> to vector<512xf32>
    %broadcast_in_dim3A_103 = vector.shape_cast %reduce_min3A_102 : vector<512xf32> to vector<512x1xf32>
    %convert_element_type3A_104 = arith.fptosi %broadcast_in_dim3A_103 : vector<512x1xf32> to vector<512x1xi32>
    %add3A_105 = arith.constant 0 : i32
    %add3A_106 = vector.broadcast %add3A_105 : i32 to vector<512x1xi32>
    %add3A_107 = arith.addi %convert_element_type3A_104, %add3A_106 : vector<512x1xi32>
    %get3A_108 = arith.constant 1024 : index
    %get3A_109 = arith.constant 0 : index
    %get3A_110 = vector.load %arg2[%get3A_108, %get3A_109] : memref<8192x256xbf16, #tpu.memory_space<vmem>>, vector<1024x256xbf16>
    %dot_general3A_111 = arith.constant dense<0.000000e+00> : vector<512x1024xf32>
    %dot_general3A_112 = tpu.matmul %convert_element_type3A, %get3A_110, %dot_general3A_111 {dimension_numbers = #tpu.dot_dimension_numbers<[1], [1], [0], [0], [0, 0, 1, 0], [], []>, transpose_lhs_hint = false} : vector<512x256xbf16>, vector<1024x256xbf16>, vector<512x1024xf32> -> vector<512x1024xf32>
    %get3A_113 = arith.constant 0 : index
    %get3A_114 = arith.constant 1024 : index
    %get3A_115 = vector.load %arg3[%get3A_113, %get3A_114] : memref<1x8192xf32, #tpu.memory_space<vmem>>, vector<1x128xf32>
    %slice3A_116 = vector.extract_strided_slice %dot_general3A_112 {offsets = [0, 0], sizes = [512, 128], strides = [1, 1]} : vector<512x1024xf32> to vector<512x128xf32>
    %add3A_117 = vector.broadcast %get3A_115 : vector<1x128xf32> to vector<512x128xf32>
    %add3A_118 = arith.addf %add3A_117, %slice3A_116 : vector<512x128xf32>
    %broadcast_in_dim3A_119 = arith.constant 0.000000e+00 : f32
    %broadcast_in_dim3A_120 = vector.broadcast %broadcast_in_dim3A_119 : f32 to vector<512x128xf32>
    %get3A_121 = arith.constant 0 : index
    %get3A_122 = arith.constant 1152 : index
    %get3A_123 = vector.load %arg3[%get3A_121, %get3A_122] : memref<1x8192xf32, #tpu.memory_space<vmem>>, vector<1x128xf32>
    %slice3A_124 = vector.extract_strided_slice %dot_general3A_112 {offsets = [0, 128], sizes = [512, 128], strides = [1, 1]} : vector<512x1024xf32> to vector<512x128xf32>
    %add3A_125 = vector.broadcast %get3A_123 : vector<1x128xf32> to vector<512x128xf32>
    %add3A_126 = arith.addf %add3A_125, %slice3A_124 : vector<512x128xf32>
    %lt3A_127 = arith.cmpf olt, %add3A_126, %add3A_118 : vector<512x128xf32>
    %select_n3A_128 = arith.select %lt3A_127, %add3A_126, %add3A_118 : vector<512x128xi1>, vector<512x128xf32>
    %jit3A_129 = arith.constant 1.000000e+00 : f32
    %broadcast_in_dim3A_130 = vector.broadcast %jit3A_129 : f32 to vector<512x128xf32>
    %select_n3A_131 = arith.select %lt3A_127, %broadcast_in_dim3A_130, %broadcast_in_dim3A_120 : vector<512x128xi1>, vector<512x128xf32>
    %get3A_132 = arith.constant 0 : index
    %get3A_133 = arith.constant 1280 : index
    %get3A_134 = vector.load %arg3[%get3A_132, %get3A_133] : memref<1x8192xf32, #tpu.memory_space<vmem>>, vector<1x128xf32>
    %slice3A_135 = vector.extract_strided_slice %dot_general3A_112 {offsets = [0, 256], sizes = [512, 128], strides = [1, 1]} : vector<512x1024xf32> to vector<512x128xf32>
    %add3A_136 = vector.broadcast %get3A_134 : vector<1x128xf32> to vector<512x128xf32>
    %add3A_137 = arith.addf %add3A_136, %slice3A_135 : vector<512x128xf32>
    %lt3A_138 = arith.cmpf olt, %add3A_137, %select_n3A_128 : vector<512x128xf32>
    %select_n3A_139 = arith.select %lt3A_138, %add3A_137, %select_n3A_128 : vector<512x128xi1>, vector<512x128xf32>
    %jit3A_140 = arith.constant 2.000000e+00 : f32
    %broadcast_in_dim3A_141 = vector.broadcast %jit3A_140 : f32 to vector<512x128xf32>
    %select_n3A_142 = arith.select %lt3A_138, %broadcast_in_dim3A_141, %select_n3A_131 : vector<512x128xi1>, vector<512x128xf32>
    %get3A_143 = arith.constant 0 : index
    %get3A_144 = arith.constant 1408 : index
    %get3A_145 = vector.load %arg3[%get3A_143, %get3A_144] : memref<1x8192xf32, #tpu.memory_space<vmem>>, vector<1x128xf32>
    %slice3A_146 = vector.extract_strided_slice %dot_general3A_112 {offsets = [0, 384], sizes = [512, 128], strides = [1, 1]} : vector<512x1024xf32> to vector<512x128xf32>
    %add3A_147 = vector.broadcast %get3A_145 : vector<1x128xf32> to vector<512x128xf32>
    %add3A_148 = arith.addf %add3A_147, %slice3A_146 : vector<512x128xf32>
    %lt3A_149 = arith.cmpf olt, %add3A_148, %select_n3A_139 : vector<512x128xf32>
    %select_n3A_150 = arith.select %lt3A_149, %add3A_148, %select_n3A_139 : vector<512x128xi1>, vector<512x128xf32>
    %jit3A_151 = arith.constant 3.000000e+00 : f32
    %broadcast_in_dim3A_152 = vector.broadcast %jit3A_151 : f32 to vector<512x128xf32>
    %select_n3A_153 = arith.select %lt3A_149, %broadcast_in_dim3A_152, %select_n3A_142 : vector<512x128xi1>, vector<512x128xf32>
    %get3A_154 = arith.constant 0 : index
    %get3A_155 = arith.constant 1536 : index
    %get3A_156 = vector.load %arg3[%get3A_154, %get3A_155] : memref<1x8192xf32, #tpu.memory_space<vmem>>, vector<1x128xf32>
    %slice3A_157 = vector.extract_strided_slice %dot_general3A_112 {offsets = [0, 512], sizes = [512, 128], strides = [1, 1]} : vector<512x1024xf32> to vector<512x128xf32>
    %add3A_158 = vector.broadcast %get3A_156 : vector<1x128xf32> to vector<512x128xf32>
    %add3A_159 = arith.addf %add3A_158, %slice3A_157 : vector<512x128xf32>
    %lt3A_160 = arith.cmpf olt, %add3A_159, %select_n3A_150 : vector<512x128xf32>
    %select_n3A_161 = arith.select %lt3A_160, %add3A_159, %select_n3A_150 : vector<512x128xi1>, vector<512x128xf32>
    %jit3A_162 = arith.constant 4.000000e+00 : f32
    %broadcast_in_dim3A_163 = vector.broadcast %jit3A_162 : f32 to vector<512x128xf32>
    %select_n3A_164 = arith.select %lt3A_160, %broadcast_in_dim3A_163, %select_n3A_153 : vector<512x128xi1>, vector<512x128xf32>
    %get3A_165 = arith.constant 0 : index
    %get3A_166 = arith.constant 1664 : index
    %get3A_167 = vector.load %arg3[%get3A_165, %get3A_166] : memref<1x8192xf32, #tpu.memory_space<vmem>>, vector<1x128xf32>
    %slice3A_168 = vector.extract_strided_slice %dot_general3A_112 {offsets = [0, 640], sizes = [512, 128], strides = [1, 1]} : vector<512x1024xf32> to vector<512x128xf32>
    %add3A_169 = vector.broadcast %get3A_167 : vector<1x128xf32> to vector<512x128xf32>
    %add3A_170 = arith.addf %add3A_169, %slice3A_168 : vector<512x128xf32>
    %lt3A_171 = arith.cmpf olt, %add3A_170, %select_n3A_161 : vector<512x128xf32>
    %select_n3A_172 = arith.select %lt3A_171, %add3A_170, %select_n3A_161 : vector<512x128xi1>, vector<512x128xf32>
    %jit3A_173 = arith.constant 5.000000e+00 : f32
    %broadcast_in_dim3A_174 = vector.broadcast %jit3A_173 : f32 to vector<512x128xf32>
    %select_n3A_175 = arith.select %lt3A_171, %broadcast_in_dim3A_174, %select_n3A_164 : vector<512x128xi1>, vector<512x128xf32>
    %get3A_176 = arith.constant 0 : index
    %get3A_177 = arith.constant 1792 : index
    %get3A_178 = vector.load %arg3[%get3A_176, %get3A_177] : memref<1x8192xf32, #tpu.memory_space<vmem>>, vector<1x128xf32>
    %slice3A_179 = vector.extract_strided_slice %dot_general3A_112 {offsets = [0, 768], sizes = [512, 128], strides = [1, 1]} : vector<512x1024xf32> to vector<512x128xf32>
    %add3A_180 = vector.broadcast %get3A_178 : vector<1x128xf32> to vector<512x128xf32>
    %add3A_181 = arith.addf %add3A_180, %slice3A_179 : vector<512x128xf32>
    %lt3A_182 = arith.cmpf olt, %add3A_181, %select_n3A_172 : vector<512x128xf32>
    %select_n3A_183 = arith.select %lt3A_182, %add3A_181, %select_n3A_172 : vector<512x128xi1>, vector<512x128xf32>
    %jit3A_184 = arith.constant 6.000000e+00 : f32
    %broadcast_in_dim3A_185 = vector.broadcast %jit3A_184 : f32 to vector<512x128xf32>
    %select_n3A_186 = arith.select %lt3A_182, %broadcast_in_dim3A_185, %select_n3A_175 : vector<512x128xi1>, vector<512x128xf32>
    %get3A_187 = arith.constant 0 : index
    %get3A_188 = arith.constant 1920 : index
    %get3A_189 = vector.load %arg3[%get3A_187, %get3A_188] : memref<1x8192xf32, #tpu.memory_space<vmem>>, vector<1x128xf32>
    %slice3A_190 = vector.extract_strided_slice %dot_general3A_112 {offsets = [0, 896], sizes = [512, 128], strides = [1, 1]} : vector<512x1024xf32> to vector<512x128xf32>
    %add3A_191 = vector.broadcast %get3A_189 : vector<1x128xf32> to vector<512x128xf32>
    %add3A_192 = arith.addf %add3A_191, %slice3A_190 : vector<512x128xf32>
    %lt3A_193 = arith.cmpf olt, %add3A_192, %select_n3A_183 : vector<512x128xf32>
    %select_n3A_194 = arith.select %lt3A_193, %add3A_192, %select_n3A_183 : vector<512x128xi1>, vector<512x128xf32>
    %jit3A_195 = arith.constant 7.000000e+00 : f32
    %broadcast_in_dim3A_196 = vector.broadcast %jit3A_195 : f32 to vector<512x128xf32>
    %select_n3A_197 = arith.select %lt3A_193, %broadcast_in_dim3A_196, %select_n3A_186 : vector<512x128xi1>, vector<512x128xf32>
    %reduce_min3A_198 = arith.constant dense<0x7F800000> : vector<512xf32>
    %reduce_min3A_199 = vector.multi_reduction <minimumf>, %select_n3A_194, %reduce_min3A_198 [1] : vector<512x128xf32> to vector<512xf32>
    %broadcast_in_dim3A_200 = vector.shape_cast %reduce_min3A_199 : vector<512xf32> to vector<512x1xf32>
    %eq3A_201 = vector.broadcast %broadcast_in_dim3A_200 : vector<512x1xf32> to vector<512x128xf32>
    %eq3A_202 = arith.cmpf oeq, %select_n3A_194, %eq3A_201 : vector<512x128xf32>
    %mul3A_203 = arith.constant 1.280000e+02 : f32
    %mul3A_204 = vector.broadcast %mul3A_203 : f32 to vector<512x128xf32>
    %mul3A_205 = arith.mulf %select_n3A_197, %mul3A_204 : vector<512x128xf32>
    %add3A_206 = arith.addf %mul3A_205, %convert_element_type3A_6 : vector<512x128xf32>
    %jit3A_207 = arith.constant 1.024000e+03 : f32
    %broadcast_in_dim3A_208 = vector.broadcast %jit3A_207 : f32 to vector<512x128xf32>
    %select_n3A_209 = arith.select %eq3A_202, %add3A_206, %broadcast_in_dim3A_208 : vector<512x128xi1>, vector<512x128xf32>
    %reduce_min3A_210 = arith.constant dense<0x7F800000> : vector<512xf32>
    %reduce_min3A_211 = vector.multi_reduction <minimumf>, %select_n3A_209, %reduce_min3A_210 [1] : vector<512x128xf32> to vector<512xf32>
    %broadcast_in_dim3A_212 = vector.shape_cast %reduce_min3A_211 : vector<512xf32> to vector<512x1xf32>
    %convert_element_type3A_213 = arith.fptosi %broadcast_in_dim3A_212 : vector<512x1xf32> to vector<512x1xi32>
    %add3A_214 = arith.constant 1024 : i32
    %add3A_215 = vector.broadcast %add3A_214 : i32 to vector<512x1xi32>
    %add3A_216 = arith.addi %convert_element_type3A_213, %add3A_215 : vector<512x1xi32>
    %lt3A_217 = arith.cmpf olt, %broadcast_in_dim3A_200, %broadcast_in_dim3A_92 : vector<512x1xf32>
    %select_n3A_218 = arith.select %lt3A_217, %broadcast_in_dim3A_200, %broadcast_in_dim3A_92 : vector<512x1xi1>, vector<512x1xf32>
    %select_n3A_219 = arith.select %lt3A_217, %add3A_216, %add3A_107 : vector<512x1xi1>, vector<512x1xi32>
    %get3A_220 = arith.constant 2048 : index
    %get3A_221 = arith.constant 0 : index
    %get3A_222 = vector.load %arg2[%get3A_220, %get3A_221] : memref<8192x256xbf16, #tpu.memory_space<vmem>>, vector<1024x256xbf16>
    %dot_general3A_223 = arith.constant dense<0.000000e+00> : vector<512x1024xf32>
    %dot_general3A_224 = tpu.matmul %convert_element_type3A, %get3A_222, %dot_general3A_223 {dimension_numbers = #tpu.dot_dimension_numbers<[1], [1], [0], [0], [0, 0, 1, 0], [], []>, transpose_lhs_hint = false} : vector<512x256xbf16>, vector<1024x256xbf16>, vector<512x1024xf32> -> vector<512x1024xf32>
    %get3A_225 = arith.constant 0 : index
    %get3A_226 = arith.constant 2048 : index
    %get3A_227 = vector.load %arg3[%get3A_225, %get3A_226] : memref<1x8192xf32, #tpu.memory_space<vmem>>, vector<1x128xf32>
    %slice3A_228 = vector.extract_strided_slice %dot_general3A_224 {offsets = [0, 0], sizes = [512, 128], strides = [1, 1]} : vector<512x1024xf32> to vector<512x128xf32>
    %add3A_229 = vector.broadcast %get3A_227 : vector<1x128xf32> to vector<512x128xf32>
    %add3A_230 = arith.addf %add3A_229, %slice3A_228 : vector<512x128xf32>
    %broadcast_in_dim3A_231 = arith.constant 0.000000e+00 : f32
    %broadcast_in_dim3A_232 = vector.broadcast %broadcast_in_dim3A_231 : f32 to vector<512x128xf32>
    %get3A_233 = arith.constant 0 : index
    %get3A_234 = arith.constant 2176 : index
    %get3A_235 = vector.load %arg3[%get3A_233, %get3A_234] : memref<1x8192xf32, #tpu.memory_space<vmem>>, vector<1x128xf32>
    %slice3A_236 = vector.extract_strided_slice %dot_general3A_224 {offsets = [0, 128], sizes = [512, 128], strides = [1, 1]} : vector<512x1024xf32> to vector<512x128xf32>
    %add3A_237 = vector.broadcast %get3A_235 : vector<1x128xf32> to vector<512x128xf32>
    %add3A_238 = arith.addf %add3A_237, %slice3A_236 : vector<512x128xf32>
    %lt3A_239 = arith.cmpf olt, %add3A_238, %add3A_230 : vector<512x128xf32>
    %select_n3A_240 = arith.select %lt3A_239, %add3A_238, %add3A_230 : vector<512x128xi1>, vector<512x128xf32>
    %jit3A_241 = arith.constant 1.000000e+00 : f32
    %broadcast_in_dim3A_242 = vector.broadcast %jit3A_241 : f32 to vector<512x128xf32>
    %select_n3A_243 = arith.select %lt3A_239, %broadcast_in_dim3A_242, %broadcast_in_dim3A_232 : vector<512x128xi1>, vector<512x128xf32>
    %get3A_244 = arith.constant 0 : index
    %get3A_245 = arith.constant 2304 : index
    %get3A_246 = vector.load %arg3[%get3A_244, %get3A_245] : memref<1x8192xf32, #tpu.memory_space<vmem>>, vector<1x128xf32>
    %slice3A_247 = vector.extract_strided_slice %dot_general3A_224 {offsets = [0, 256], sizes = [512, 128], strides = [1, 1]} : vector<512x1024xf32> to vector<512x128xf32>
    %add3A_248 = vector.broadcast %get3A_246 : vector<1x128xf32> to vector<512x128xf32>
    %add3A_249 = arith.addf %add3A_248, %slice3A_247 : vector<512x128xf32>
    %lt3A_250 = arith.cmpf olt, %add3A_249, %select_n3A_240 : vector<512x128xf32>
    %select_n3A_251 = arith.select %lt3A_250, %add3A_249, %select_n3A_240 : vector<512x128xi1>, vector<512x128xf32>
    %jit3A_252 = arith.constant 2.000000e+00 : f32
    %broadcast_in_dim3A_253 = vector.broadcast %jit3A_252 : f32 to vector<512x128xf32>
    %select_n3A_254 = arith.select %lt3A_250, %broadcast_in_dim3A_253, %select_n3A_243 : vector<512x128xi1>, vector<512x128xf32>
    %get3A_255 = arith.constant 0 : index
    %get3A_256 = arith.constant 2432 : index
    %get3A_257 = vector.load %arg3[%get3A_255, %get3A_256] : memref<1x8192xf32, #tpu.memory_space<vmem>>, vector<1x128xf32>
    %slice3A_258 = vector.extract_strided_slice %dot_general3A_224 {offsets = [0, 384], sizes = [512, 128], strides = [1, 1]} : vector<512x1024xf32> to vector<512x128xf32>
    %add3A_259 = vector.broadcast %get3A_257 : vector<1x128xf32> to vector<512x128xf32>
    %add3A_260 = arith.addf %add3A_259, %slice3A_258 : vector<512x128xf32>
    %lt3A_261 = arith.cmpf olt, %add3A_260, %select_n3A_251 : vector<512x128xf32>
    %select_n3A_262 = arith.select %lt3A_261, %add3A_260, %select_n3A_251 : vector<512x128xi1>, vector<512x128xf32>
    %jit3A_263 = arith.constant 3.000000e+00 : f32
    %broadcast_in_dim3A_264 = vector.broadcast %jit3A_263 : f32 to vector<512x128xf32>
    %select_n3A_265 = arith.select %lt3A_261, %broadcast_in_dim3A_264, %select_n3A_254 : vector<512x128xi1>, vector<512x128xf32>
    %get3A_266 = arith.constant 0 : index
    %get3A_267 = arith.constant 2560 : index
    %get3A_268 = vector.load %arg3[%get3A_266, %get3A_267] : memref<1x8192xf32, #tpu.memory_space<vmem>>, vector<1x128xf32>
    %slice3A_269 = vector.extract_strided_slice %dot_general3A_224 {offsets = [0, 512], sizes = [512, 128], strides = [1, 1]} : vector<512x1024xf32> to vector<512x128xf32>
    %add3A_270 = vector.broadcast %get3A_268 : vector<1x128xf32> to vector<512x128xf32>
    %add3A_271 = arith.addf %add3A_270, %slice3A_269 : vector<512x128xf32>
    %lt3A_272 = arith.cmpf olt, %add3A_271, %select_n3A_262 : vector<512x128xf32>
    %select_n3A_273 = arith.select %lt3A_272, %add3A_271, %select_n3A_262 : vector<512x128xi1>, vector<512x128xf32>
    %jit3A_274 = arith.constant 4.000000e+00 : f32
    %broadcast_in_dim3A_275 = vector.broadcast %jit3A_274 : f32 to vector<512x128xf32>
    %select_n3A_276 = arith.select %lt3A_272, %broadcast_in_dim3A_275, %select_n3A_265 : vector<512x128xi1>, vector<512x128xf32>
    %get3A_277 = arith.constant 0 : index
    %get3A_278 = arith.constant 2688 : index
    %get3A_279 = vector.load %arg3[%get3A_277, %get3A_278] : memref<1x8192xf32, #tpu.memory_space<vmem>>, vector<1x128xf32>
    %slice3A_280 = vector.extract_strided_slice %dot_general3A_224 {offsets = [0, 640], sizes = [512, 128], strides = [1, 1]} : vector<512x1024xf32> to vector<512x128xf32>
    %add3A_281 = vector.broadcast %get3A_279 : vector<1x128xf32> to vector<512x128xf32>
    %add3A_282 = arith.addf %add3A_281, %slice3A_280 : vector<512x128xf32>
    %lt3A_283 = arith.cmpf olt, %add3A_282, %select_n3A_273 : vector<512x128xf32>
    %select_n3A_284 = arith.select %lt3A_283, %add3A_282, %select_n3A_273 : vector<512x128xi1>, vector<512x128xf32>
    %jit3A_285 = arith.constant 5.000000e+00 : f32
    %broadcast_in_dim3A_286 = vector.broadcast %jit3A_285 : f32 to vector<512x128xf32>
    %select_n3A_287 = arith.select %lt3A_283, %broadcast_in_dim3A_286, %select_n3A_276 : vector<512x128xi1>, vector<512x128xf32>
    %get3A_288 = arith.constant 0 : index
    %get3A_289 = arith.constant 2816 : index
    %get3A_290 = vector.load %arg3[%get3A_288, %get3A_289] : memref<1x8192xf32, #tpu.memory_space<vmem>>, vector<1x128xf32>
    %slice3A_291 = vector.extract_strided_slice %dot_general3A_224 {offsets = [0, 768], sizes = [512, 128], strides = [1, 1]} : vector<512x1024xf32> to vector<512x128xf32>
    %add3A_292 = vector.broadcast %get3A_290 : vector<1x128xf32> to vector<512x128xf32>
    %add3A_293 = arith.addf %add3A_292, %slice3A_291 : vector<512x128xf32>
    %lt3A_294 = arith.cmpf olt, %add3A_293, %select_n3A_284 : vector<512x128xf32>
    %select_n3A_295 = arith.select %lt3A_294, %add3A_293, %select_n3A_284 : vector<512x128xi1>, vector<512x128xf32>
    %jit3A_296 = arith.constant 6.000000e+00 : f32
    %broadcast_in_dim3A_297 = vector.broadcast %jit3A_296 : f32 to vector<512x128xf32>
    %select_n3A_298 = arith.select %lt3A_294, %broadcast_in_dim3A_297, %select_n3A_287 : vector<512x128xi1>, vector<512x128xf32>
    %get3A_299 = arith.constant 0 : index
    %get3A_300 = arith.constant 2944 : index
    %get3A_301 = vector.load %arg3[%get3A_299, %get3A_300] : memref<1x8192xf32, #tpu.memory_space<vmem>>, vector<1x128xf32>
    %slice3A_302 = vector.extract_strided_slice %dot_general3A_224 {offsets = [0, 896], sizes = [512, 128], strides = [1, 1]} : vector<512x1024xf32> to vector<512x128xf32>
    %add3A_303 = vector.broadcast %get3A_301 : vector<1x128xf32> to vector<512x128xf32>
    %add3A_304 = arith.addf %add3A_303, %slice3A_302 : vector<512x128xf32>
    %lt3A_305 = arith.cmpf olt, %add3A_304, %select_n3A_295 : vector<512x128xf32>
    %select_n3A_306 = arith.select %lt3A_305, %add3A_304, %select_n3A_295 : vector<512x128xi1>, vector<512x128xf32>
    %jit3A_307 = arith.constant 7.000000e+00 : f32
    %broadcast_in_dim3A_308 = vector.broadcast %jit3A_307 : f32 to vector<512x128xf32>
    %select_n3A_309 = arith.select %lt3A_305, %broadcast_in_dim3A_308, %select_n3A_298 : vector<512x128xi1>, vector<512x128xf32>
    %reduce_min3A_310 = arith.constant dense<0x7F800000> : vector<512xf32>
    %reduce_min3A_311 = vector.multi_reduction <minimumf>, %select_n3A_306, %reduce_min3A_310 [1] : vector<512x128xf32> to vector<512xf32>
    %broadcast_in_dim3A_312 = vector.shape_cast %reduce_min3A_311 : vector<512xf32> to vector<512x1xf32>
    %eq3A_313 = vector.broadcast %broadcast_in_dim3A_312 : vector<512x1xf32> to vector<512x128xf32>
    %eq3A_314 = arith.cmpf oeq, %select_n3A_306, %eq3A_313 : vector<512x128xf32>
    %mul3A_315 = arith.constant 1.280000e+02 : f32
    %mul3A_316 = vector.broadcast %mul3A_315 : f32 to vector<512x128xf32>
    %mul3A_317 = arith.mulf %select_n3A_309, %mul3A_316 : vector<512x128xf32>
    %add3A_318 = arith.addf %mul3A_317, %convert_element_type3A_6 : vector<512x128xf32>
    %jit3A_319 = arith.constant 1.024000e+03 : f32
    %broadcast_in_dim3A_320 = vector.broadcast %jit3A_319 : f32 to vector<512x128xf32>
    %select_n3A_321 = arith.select %eq3A_314, %add3A_318, %broadcast_in_dim3A_320 : vector<512x128xi1>, vector<512x128xf32>
    %reduce_min3A_322 = arith.constant dense<0x7F800000> : vector<512xf32>
    %reduce_min3A_323 = vector.multi_reduction <minimumf>, %select_n3A_321, %reduce_min3A_322 [1] : vector<512x128xf32> to vector<512xf32>
    %broadcast_in_dim3A_324 = vector.shape_cast %reduce_min3A_323 : vector<512xf32> to vector<512x1xf32>
    %convert_element_type3A_325 = arith.fptosi %broadcast_in_dim3A_324 : vector<512x1xf32> to vector<512x1xi32>
    %add3A_326 = arith.constant 2048 : i32
    %add3A_327 = vector.broadcast %add3A_326 : i32 to vector<512x1xi32>
    %add3A_328 = arith.addi %convert_element_type3A_325, %add3A_327 : vector<512x1xi32>
    %lt3A_329 = arith.cmpf olt, %broadcast_in_dim3A_312, %select_n3A_218 : vector<512x1xf32>
    %select_n3A_330 = arith.select %lt3A_329, %broadcast_in_dim3A_312, %select_n3A_218 : vector<512x1xi1>, vector<512x1xf32>
    %select_n3A_331 = arith.select %lt3A_329, %add3A_328, %select_n3A_219 : vector<512x1xi1>, vector<512x1xi32>
    %get3A_332 = arith.constant 3072 : index
    %get3A_333 = arith.constant 0 : index
    %get3A_334 = vector.load %arg2[%get3A_332, %get3A_333] : memref<8192x256xbf16, #tpu.memory_space<vmem>>, vector<1024x256xbf16>
    %dot_general3A_335 = arith.constant dense<0.000000e+00> : vector<512x1024xf32>
    %dot_general3A_336 = tpu.matmul %convert_element_type3A, %get3A_334, %dot_general3A_335 {dimension_numbers = #tpu.dot_dimension_numbers<[1], [1], [0], [0], [0, 0, 1, 0], [], []>, transpose_lhs_hint = false} : vector<512x256xbf16>, vector<1024x256xbf16>, vector<512x1024xf32> -> vector<512x1024xf32>
    %get3A_337 = arith.constant 0 : index
    %get3A_338 = arith.constant 3072 : index
    %get3A_339 = vector.load %arg3[%get3A_337, %get3A_338] : memref<1x8192xf32, #tpu.memory_space<vmem>>, vector<1x128xf32>
    %slice3A_340 = vector.extract_strided_slice %dot_general3A_336 {offsets = [0, 0], sizes = [512, 128], strides = [1, 1]} : vector<512x1024xf32> to vector<512x128xf32>
    %add3A_341 = vector.broadcast %get3A_339 : vector<1x128xf32> to vector<512x128xf32>
    %add3A_342 = arith.addf %add3A_341, %slice3A_340 : vector<512x128xf32>
    %broadcast_in_dim3A_343 = arith.constant 0.000000e+00 : f32
    %broadcast_in_dim3A_344 = vector.broadcast %broadcast_in_dim3A_343 : f32 to vector<512x128xf32>
    %get3A_345 = arith.constant 0 : index
    %get3A_346 = arith.constant 3200 : index
    %get3A_347 = vector.load %arg3[%get3A_345, %get3A_346] : memref<1x8192xf32, #tpu.memory_space<vmem>>, vector<1x128xf32>
    %slice3A_348 = vector.extract_strided_slice %dot_general3A_336 {offsets = [0, 128], sizes = [512, 128], strides = [1, 1]} : vector<512x1024xf32> to vector<512x128xf32>
    %add3A_349 = vector.broadcast %get3A_347 : vector<1x128xf32> to vector<512x128xf32>
    %add3A_350 = arith.addf %add3A_349, %slice3A_348 : vector<512x128xf32>
    %lt3A_351 = arith.cmpf olt, %add3A_350, %add3A_342 : vector<512x128xf32>
    %select_n3A_352 = arith.select %lt3A_351, %add3A_350, %add3A_342 : vector<512x128xi1>, vector<512x128xf32>
    %jit3A_353 = arith.constant 1.000000e+00 : f32
    %broadcast_in_dim3A_354 = vector.broadcast %jit3A_353 : f32 to vector<512x128xf32>
    %select_n3A_355 = arith.select %lt3A_351, %broadcast_in_dim3A_354, %broadcast_in_dim3A_344 : vector<512x128xi1>, vector<512x128xf32>
    %get3A_356 = arith.constant 0 : index
    %get3A_357 = arith.constant 3328 : index
    %get3A_358 = vector.load %arg3[%get3A_356, %get3A_357] : memref<1x8192xf32, #tpu.memory_space<vmem>>, vector<1x128xf32>
    %slice3A_359 = vector.extract_strided_slice %dot_general3A_336 {offsets = [0, 256], sizes = [512, 128], strides = [1, 1]} : vector<512x1024xf32> to vector<512x128xf32>
    %add3A_360 = vector.broadcast %get3A_358 : vector<1x128xf32> to vector<512x128xf32>
    %add3A_361 = arith.addf %add3A_360, %slice3A_359 : vector<512x128xf32>
    %lt3A_362 = arith.cmpf olt, %add3A_361, %select_n3A_352 : vector<512x128xf32>
    %select_n3A_363 = arith.select %lt3A_362, %add3A_361, %select_n3A_352 : vector<512x128xi1>, vector<512x128xf32>
    %jit3A_364 = arith.constant 2.000000e+00 : f32
    %broadcast_in_dim3A_365 = vector.broadcast %jit3A_364 : f32 to vector<512x128xf32>
    %select_n3A_366 = arith.select %lt3A_362, %broadcast_in_dim3A_365, %select_n3A_355 : vector<512x128xi1>, vector<512x128xf32>
    %get3A_367 = arith.constant 0 : index
    %get3A_368 = arith.constant 3456 : index
    %get3A_369 = vector.load %arg3[%get3A_367, %get3A_368] : memref<1x8192xf32, #tpu.memory_space<vmem>>, vector<1x128xf32>
    %slice3A_370 = vector.extract_strided_slice %dot_general3A_336 {offsets = [0, 384], sizes = [512, 128], strides = [1, 1]} : vector<512x1024xf32> to vector<512x128xf32>
    %add3A_371 = vector.broadcast %get3A_369 : vector<1x128xf32> to vector<512x128xf32>
    %add3A_372 = arith.addf %add3A_371, %slice3A_370 : vector<512x128xf32>
    %lt3A_373 = arith.cmpf olt, %add3A_372, %select_n3A_363 : vector<512x128xf32>
    %select_n3A_374 = arith.select %lt3A_373, %add3A_372, %select_n3A_363 : vector<512x128xi1>, vector<512x128xf32>
    %jit3A_375 = arith.constant 3.000000e+00 : f32
    %broadcast_in_dim3A_376 = vector.broadcast %jit3A_375 : f32 to vector<512x128xf32>
    %select_n3A_377 = arith.select %lt3A_373, %broadcast_in_dim3A_376, %select_n3A_366 : vector<512x128xi1>, vector<512x128xf32>
    %get3A_378 = arith.constant 0 : index
    %get3A_379 = arith.constant 3584 : index
    %get3A_380 = vector.load %arg3[%get3A_378, %get3A_379] : memref<1x8192xf32, #tpu.memory_space<vmem>>, vector<1x128xf32>
    %slice3A_381 = vector.extract_strided_slice %dot_general3A_336 {offsets = [0, 512], sizes = [512, 128], strides = [1, 1]} : vector<512x1024xf32> to vector<512x128xf32>
    %add3A_382 = vector.broadcast %get3A_380 : vector<1x128xf32> to vector<512x128xf32>
    %add3A_383 = arith.addf %add3A_382, %slice3A_381 : vector<512x128xf32>
    %lt3A_384 = arith.cmpf olt, %add3A_383, %select_n3A_374 : vector<512x128xf32>
    %select_n3A_385 = arith.select %lt3A_384, %add3A_383, %select_n3A_374 : vector<512x128xi1>, vector<512x128xf32>
    %jit3A_386 = arith.constant 4.000000e+00 : f32
    %broadcast_in_dim3A_387 = vector.broadcast %jit3A_386 : f32 to vector<512x128xf32>
    %select_n3A_388 = arith.select %lt3A_384, %broadcast_in_dim3A_387, %select_n3A_377 : vector<512x128xi1>, vector<512x128xf32>
    %get3A_389 = arith.constant 0 : index
    %get3A_390 = arith.constant 3712 : index
    %get3A_391 = vector.load %arg3[%get3A_389, %get3A_390] : memref<1x8192xf32, #tpu.memory_space<vmem>>, vector<1x128xf32>
    %slice3A_392 = vector.extract_strided_slice %dot_general3A_336 {offsets = [0, 640], sizes = [512, 128], strides = [1, 1]} : vector<512x1024xf32> to vector<512x128xf32>
    %add3A_393 = vector.broadcast %get3A_391 : vector<1x128xf32> to vector<512x128xf32>
    %add3A_394 = arith.addf %add3A_393, %slice3A_392 : vector<512x128xf32>
    %lt3A_395 = arith.cmpf olt, %add3A_394, %select_n3A_385 : vector<512x128xf32>
    %select_n3A_396 = arith.select %lt3A_395, %add3A_394, %select_n3A_385 : vector<512x128xi1>, vector<512x128xf32>
    %jit3A_397 = arith.constant 5.000000e+00 : f32
    %broadcast_in_dim3A_398 = vector.broadcast %jit3A_397 : f32 to vector<512x128xf32>
    %select_n3A_399 = arith.select %lt3A_395, %broadcast_in_dim3A_398, %select_n3A_388 : vector<512x128xi1>, vector<512x128xf32>
    %get3A_400 = arith.constant 0 : index
    %get3A_401 = arith.constant 3840 : index
    %get3A_402 = vector.load %arg3[%get3A_400, %get3A_401] : memref<1x8192xf32, #tpu.memory_space<vmem>>, vector<1x128xf32>
    %slice3A_403 = vector.extract_strided_slice %dot_general3A_336 {offsets = [0, 768], sizes = [512, 128], strides = [1, 1]} : vector<512x1024xf32> to vector<512x128xf32>
    %add3A_404 = vector.broadcast %get3A_402 : vector<1x128xf32> to vector<512x128xf32>
    %add3A_405 = arith.addf %add3A_404, %slice3A_403 : vector<512x128xf32>
    %lt3A_406 = arith.cmpf olt, %add3A_405, %select_n3A_396 : vector<512x128xf32>
    %select_n3A_407 = arith.select %lt3A_406, %add3A_405, %select_n3A_396 : vector<512x128xi1>, vector<512x128xf32>
    %jit3A_408 = arith.constant 6.000000e+00 : f32
    %broadcast_in_dim3A_409 = vector.broadcast %jit3A_408 : f32 to vector<512x128xf32>
    %select_n3A_410 = arith.select %lt3A_406, %broadcast_in_dim3A_409, %select_n3A_399 : vector<512x128xi1>, vector<512x128xf32>
    %get3A_411 = arith.constant 0 : index
    %get3A_412 = arith.constant 3968 : index
    %get3A_413 = vector.load %arg3[%get3A_411, %get3A_412] : memref<1x8192xf32, #tpu.memory_space<vmem>>, vector<1x128xf32>
    %slice3A_414 = vector.extract_strided_slice %dot_general3A_336 {offsets = [0, 896], sizes = [512, 128], strides = [1, 1]} : vector<512x1024xf32> to vector<512x128xf32>
    %add3A_415 = vector.broadcast %get3A_413 : vector<1x128xf32> to vector<512x128xf32>
    %add3A_416 = arith.addf %add3A_415, %slice3A_414 : vector<512x128xf32>
    %lt3A_417 = arith.cmpf olt, %add3A_416, %select_n3A_407 : vector<512x128xf32>
    %select_n3A_418 = arith.select %lt3A_417, %add3A_416, %select_n3A_407 : vector<512x128xi1>, vector<512x128xf32>
    %jit3A_419 = arith.constant 7.000000e+00 : f32
    %broadcast_in_dim3A_420 = vector.broadcast %jit3A_419 : f32 to vector<512x128xf32>
    %select_n3A_421 = arith.select %lt3A_417, %broadcast_in_dim3A_420, %select_n3A_410 : vector<512x128xi1>, vector<512x128xf32>
    %reduce_min3A_422 = arith.constant dense<0x7F800000> : vector<512xf32>
    %reduce_min3A_423 = vector.multi_reduction <minimumf>, %select_n3A_418, %reduce_min3A_422 [1] : vector<512x128xf32> to vector<512xf32>
    %broadcast_in_dim3A_424 = vector.shape_cast %reduce_min3A_423 : vector<512xf32> to vector<512x1xf32>
    %eq3A_425 = vector.broadcast %broadcast_in_dim3A_424 : vector<512x1xf32> to vector<512x128xf32>
    %eq3A_426 = arith.cmpf oeq, %select_n3A_418, %eq3A_425 : vector<512x128xf32>
    %mul3A_427 = arith.constant 1.280000e+02 : f32
    %mul3A_428 = vector.broadcast %mul3A_427 : f32 to vector<512x128xf32>
    %mul3A_429 = arith.mulf %select_n3A_421, %mul3A_428 : vector<512x128xf32>
    %add3A_430 = arith.addf %mul3A_429, %convert_element_type3A_6 : vector<512x128xf32>
    %jit3A_431 = arith.constant 1.024000e+03 : f32
    %broadcast_in_dim3A_432 = vector.broadcast %jit3A_431 : f32 to vector<512x128xf32>
    %select_n3A_433 = arith.select %eq3A_426, %add3A_430, %broadcast_in_dim3A_432 : vector<512x128xi1>, vector<512x128xf32>
    %reduce_min3A_434 = arith.constant dense<0x7F800000> : vector<512xf32>
    %reduce_min3A_435 = vector.multi_reduction <minimumf>, %select_n3A_433, %reduce_min3A_434 [1] : vector<512x128xf32> to vector<512xf32>
    %broadcast_in_dim3A_436 = vector.shape_cast %reduce_min3A_435 : vector<512xf32> to vector<512x1xf32>
    %convert_element_type3A_437 = arith.fptosi %broadcast_in_dim3A_436 : vector<512x1xf32> to vector<512x1xi32>
    %add3A_438 = arith.constant 3072 : i32
    %add3A_439 = vector.broadcast %add3A_438 : i32 to vector<512x1xi32>
    %add3A_440 = arith.addi %convert_element_type3A_437, %add3A_439 : vector<512x1xi32>
    %lt3A_441 = arith.cmpf olt, %broadcast_in_dim3A_424, %select_n3A_330 : vector<512x1xf32>
    %select_n3A_442 = arith.select %lt3A_441, %broadcast_in_dim3A_424, %select_n3A_330 : vector<512x1xi1>, vector<512x1xf32>
    %select_n3A_443 = arith.select %lt3A_441, %add3A_440, %select_n3A_331 : vector<512x1xi1>, vector<512x1xi32>
    %get3A_444 = arith.constant 4096 : index
    %get3A_445 = arith.constant 0 : index
    %get3A_446 = vector.load %arg2[%get3A_444, %get3A_445] : memref<8192x256xbf16, #tpu.memory_space<vmem>>, vector<1024x256xbf16>
    %dot_general3A_447 = arith.constant dense<0.000000e+00> : vector<512x1024xf32>
    %dot_general3A_448 = tpu.matmul %convert_element_type3A, %get3A_446, %dot_general3A_447 {dimension_numbers = #tpu.dot_dimension_numbers<[1], [1], [0], [0], [0, 0, 1, 0], [], []>, transpose_lhs_hint = false} : vector<512x256xbf16>, vector<1024x256xbf16>, vector<512x1024xf32> -> vector<512x1024xf32>
    %get3A_449 = arith.constant 0 : index
    %get3A_450 = arith.constant 4096 : index
    %get3A_451 = vector.load %arg3[%get3A_449, %get3A_450] : memref<1x8192xf32, #tpu.memory_space<vmem>>, vector<1x128xf32>
    %slice3A_452 = vector.extract_strided_slice %dot_general3A_448 {offsets = [0, 0], sizes = [512, 128], strides = [1, 1]} : vector<512x1024xf32> to vector<512x128xf32>
    %add3A_453 = vector.broadcast %get3A_451 : vector<1x128xf32> to vector<512x128xf32>
    %add3A_454 = arith.addf %add3A_453, %slice3A_452 : vector<512x128xf32>
    %broadcast_in_dim3A_455 = arith.constant 0.000000e+00 : f32
    %broadcast_in_dim3A_456 = vector.broadcast %broadcast_in_dim3A_455 : f32 to vector<512x128xf32>
    %get3A_457 = arith.constant 0 : index
    %get3A_458 = arith.constant 4224 : index
    %get3A_459 = vector.load %arg3[%get3A_457, %get3A_458] : memref<1x8192xf32, #tpu.memory_space<vmem>>, vector<1x128xf32>
    %slice3A_460 = vector.extract_strided_slice %dot_general3A_448 {offsets = [0, 128], sizes = [512, 128], strides = [1, 1]} : vector<512x1024xf32> to vector<512x128xf32>
    %add3A_461 = vector.broadcast %get3A_459 : vector<1x128xf32> to vector<512x128xf32>
    %add3A_462 = arith.addf %add3A_461, %slice3A_460 : vector<512x128xf32>
    %lt3A_463 = arith.cmpf olt, %add3A_462, %add3A_454 : vector<512x128xf32>
    %select_n3A_464 = arith.select %lt3A_463, %add3A_462, %add3A_454 : vector<512x128xi1>, vector<512x128xf32>
    %jit3A_465 = arith.constant 1.000000e+00 : f32
    %broadcast_in_dim3A_466 = vector.broadcast %jit3A_465 : f32 to vector<512x128xf32>
    %select_n3A_467 = arith.select %lt3A_463, %broadcast_in_dim3A_466, %broadcast_in_dim3A_456 : vector<512x128xi1>, vector<512x128xf32>
    %get3A_468 = arith.constant 0 : index
    %get3A_469 = arith.constant 4352 : index
    %get3A_470 = vector.load %arg3[%get3A_468, %get3A_469] : memref<1x8192xf32, #tpu.memory_space<vmem>>, vector<1x128xf32>
    %slice3A_471 = vector.extract_strided_slice %dot_general3A_448 {offsets = [0, 256], sizes = [512, 128], strides = [1, 1]} : vector<512x1024xf32> to vector<512x128xf32>
    %add3A_472 = vector.broadcast %get3A_470 : vector<1x128xf32> to vector<512x128xf32>
    %add3A_473 = arith.addf %add3A_472, %slice3A_471 : vector<512x128xf32>
    %lt3A_474 = arith.cmpf olt, %add3A_473, %select_n3A_464 : vector<512x128xf32>
    %select_n3A_475 = arith.select %lt3A_474, %add3A_473, %select_n3A_464 : vector<512x128xi1>, vector<512x128xf32>
    %jit3A_476 = arith.constant 2.000000e+00 : f32
    %broadcast_in_dim3A_477 = vector.broadcast %jit3A_476 : f32 to vector<512x128xf32>
    %select_n3A_478 = arith.select %lt3A_474, %broadcast_in_dim3A_477, %select_n3A_467 : vector<512x128xi1>, vector<512x128xf32>
    %get3A_479 = arith.constant 0 : index
    %get3A_480 = arith.constant 4480 : index
    %get3A_481 = vector.load %arg3[%get3A_479, %get3A_480] : memref<1x8192xf32, #tpu.memory_space<vmem>>, vector<1x128xf32>
    %slice3A_482 = vector.extract_strided_slice %dot_general3A_448 {offsets = [0, 384], sizes = [512, 128], strides = [1, 1]} : vector<512x1024xf32> to vector<512x128xf32>
    %add3A_483 = vector.broadcast %get3A_481 : vector<1x128xf32> to vector<512x128xf32>
    %add3A_484 = arith.addf %add3A_483, %slice3A_482 : vector<512x128xf32>
    %lt3A_485 = arith.cmpf olt, %add3A_484, %select_n3A_475 : vector<512x128xf32>
    %select_n3A_486 = arith.select %lt3A_485, %add3A_484, %select_n3A_475 : vector<512x128xi1>, vector<512x128xf32>
    %jit3A_487 = arith.constant 3.000000e+00 : f32
    %broadcast_in_dim3A_488 = vector.broadcast %jit3A_487 : f32 to vector<512x128xf32>
    %select_n3A_489 = arith.select %lt3A_485, %broadcast_in_dim3A_488, %select_n3A_478 : vector<512x128xi1>, vector<512x128xf32>
    %get3A_490 = arith.constant 0 : index
    %get3A_491 = arith.constant 4608 : index
    %get3A_492 = vector.load %arg3[%get3A_490, %get3A_491] : memref<1x8192xf32, #tpu.memory_space<vmem>>, vector<1x128xf32>
    %slice3A_493 = vector.extract_strided_slice %dot_general3A_448 {offsets = [0, 512], sizes = [512, 128], strides = [1, 1]} : vector<512x1024xf32> to vector<512x128xf32>
    %add3A_494 = vector.broadcast %get3A_492 : vector<1x128xf32> to vector<512x128xf32>
    %add3A_495 = arith.addf %add3A_494, %slice3A_493 : vector<512x128xf32>
    %lt3A_496 = arith.cmpf olt, %add3A_495, %select_n3A_486 : vector<512x128xf32>
    %select_n3A_497 = arith.select %lt3A_496, %add3A_495, %select_n3A_486 : vector<512x128xi1>, vector<512x128xf32>
    %jit3A_498 = arith.constant 4.000000e+00 : f32
    %broadcast_in_dim3A_499 = vector.broadcast %jit3A_498 : f32 to vector<512x128xf32>
    %select_n3A_500 = arith.select %lt3A_496, %broadcast_in_dim3A_499, %select_n3A_489 : vector<512x128xi1>, vector<512x128xf32>
    %get3A_501 = arith.constant 0 : index
    %get3A_502 = arith.constant 4736 : index
    %get3A_503 = vector.load %arg3[%get3A_501, %get3A_502] : memref<1x8192xf32, #tpu.memory_space<vmem>>, vector<1x128xf32>
    %slice3A_504 = vector.extract_strided_slice %dot_general3A_448 {offsets = [0, 640], sizes = [512, 128], strides = [1, 1]} : vector<512x1024xf32> to vector<512x128xf32>
    %add3A_505 = vector.broadcast %get3A_503 : vector<1x128xf32> to vector<512x128xf32>
    %add3A_506 = arith.addf %add3A_505, %slice3A_504 : vector<512x128xf32>
    %lt3A_507 = arith.cmpf olt, %add3A_506, %select_n3A_497 : vector<512x128xf32>
    %select_n3A_508 = arith.select %lt3A_507, %add3A_506, %select_n3A_497 : vector<512x128xi1>, vector<512x128xf32>
    %jit3A_509 = arith.constant 5.000000e+00 : f32
    %broadcast_in_dim3A_510 = vector.broadcast %jit3A_509 : f32 to vector<512x128xf32>
    %select_n3A_511 = arith.select %lt3A_507, %broadcast_in_dim3A_510, %select_n3A_500 : vector<512x128xi1>, vector<512x128xf32>
    %get3A_512 = arith.constant 0 : index
    %get3A_513 = arith.constant 4864 : index
    %get3A_514 = vector.load %arg3[%get3A_512, %get3A_513] : memref<1x8192xf32, #tpu.memory_space<vmem>>, vector<1x128xf32>
    %slice3A_515 = vector.extract_strided_slice %dot_general3A_448 {offsets = [0, 768], sizes = [512, 128], strides = [1, 1]} : vector<512x1024xf32> to vector<512x128xf32>
    %add3A_516 = vector.broadcast %get3A_514 : vector<1x128xf32> to vector<512x128xf32>
    %add3A_517 = arith.addf %add3A_516, %slice3A_515 : vector<512x128xf32>
    %lt3A_518 = arith.cmpf olt, %add3A_517, %select_n3A_508 : vector<512x128xf32>
    %select_n3A_519 = arith.select %lt3A_518, %add3A_517, %select_n3A_508 : vector<512x128xi1>, vector<512x128xf32>
    %jit3A_520 = arith.constant 6.000000e+00 : f32
    %broadcast_in_dim3A_521 = vector.broadcast %jit3A_520 : f32 to vector<512x128xf32>
    %select_n3A_522 = arith.select %lt3A_518, %broadcast_in_dim3A_521, %select_n3A_511 : vector<512x128xi1>, vector<512x128xf32>
    %get3A_523 = arith.constant 0 : index
    %get3A_524 = arith.constant 4992 : index
    %get3A_525 = vector.load %arg3[%get3A_523, %get3A_524] : memref<1x8192xf32, #tpu.memory_space<vmem>>, vector<1x128xf32>
    %slice3A_526 = vector.extract_strided_slice %dot_general3A_448 {offsets = [0, 896], sizes = [512, 128], strides = [1, 1]} : vector<512x1024xf32> to vector<512x128xf32>
    %add3A_527 = vector.broadcast %get3A_525 : vector<1x128xf32> to vector<512x128xf32>
    %add3A_528 = arith.addf %add3A_527, %slice3A_526 : vector<512x128xf32>
    %lt3A_529 = arith.cmpf olt, %add3A_528, %select_n3A_519 : vector<512x128xf32>
    %select_n3A_530 = arith.select %lt3A_529, %add3A_528, %select_n3A_519 : vector<512x128xi1>, vector<512x128xf32>
    %jit3A_531 = arith.constant 7.000000e+00 : f32
    %broadcast_in_dim3A_532 = vector.broadcast %jit3A_531 : f32 to vector<512x128xf32>
    %select_n3A_533 = arith.select %lt3A_529, %broadcast_in_dim3A_532, %select_n3A_522 : vector<512x128xi1>, vector<512x128xf32>
    %reduce_min3A_534 = arith.constant dense<0x7F800000> : vector<512xf32>
    %reduce_min3A_535 = vector.multi_reduction <minimumf>, %select_n3A_530, %reduce_min3A_534 [1] : vector<512x128xf32> to vector<512xf32>
    %broadcast_in_dim3A_536 = vector.shape_cast %reduce_min3A_535 : vector<512xf32> to vector<512x1xf32>
    %eq3A_537 = vector.broadcast %broadcast_in_dim3A_536 : vector<512x1xf32> to vector<512x128xf32>
    %eq3A_538 = arith.cmpf oeq, %select_n3A_530, %eq3A_537 : vector<512x128xf32>
    %mul3A_539 = arith.constant 1.280000e+02 : f32
    %mul3A_540 = vector.broadcast %mul3A_539 : f32 to vector<512x128xf32>
    %mul3A_541 = arith.mulf %select_n3A_533, %mul3A_540 : vector<512x128xf32>
    %add3A_542 = arith.addf %mul3A_541, %convert_element_type3A_6 : vector<512x128xf32>
    %jit3A_543 = arith.constant 1.024000e+03 : f32
    %broadcast_in_dim3A_544 = vector.broadcast %jit3A_543 : f32 to vector<512x128xf32>
    %select_n3A_545 = arith.select %eq3A_538, %add3A_542, %broadcast_in_dim3A_544 : vector<512x128xi1>, vector<512x128xf32>
    %reduce_min3A_546 = arith.constant dense<0x7F800000> : vector<512xf32>
    %reduce_min3A_547 = vector.multi_reduction <minimumf>, %select_n3A_545, %reduce_min3A_546 [1] : vector<512x128xf32> to vector<512xf32>
    %broadcast_in_dim3A_548 = vector.shape_cast %reduce_min3A_547 : vector<512xf32> to vector<512x1xf32>
    %convert_element_type3A_549 = arith.fptosi %broadcast_in_dim3A_548 : vector<512x1xf32> to vector<512x1xi32>
    %add3A_550 = arith.constant 4096 : i32
    %add3A_551 = vector.broadcast %add3A_550 : i32 to vector<512x1xi32>
    %add3A_552 = arith.addi %convert_element_type3A_549, %add3A_551 : vector<512x1xi32>
    %lt3A_553 = arith.cmpf olt, %broadcast_in_dim3A_536, %select_n3A_442 : vector<512x1xf32>
    %select_n3A_554 = arith.select %lt3A_553, %broadcast_in_dim3A_536, %select_n3A_442 : vector<512x1xi1>, vector<512x1xf32>
    %select_n3A_555 = arith.select %lt3A_553, %add3A_552, %select_n3A_443 : vector<512x1xi1>, vector<512x1xi32>
    %get3A_556 = arith.constant 5120 : index
    %get3A_557 = arith.constant 0 : index
    %get3A_558 = vector.load %arg2[%get3A_556, %get3A_557] : memref<8192x256xbf16, #tpu.memory_space<vmem>>, vector<1024x256xbf16>
    %dot_general3A_559 = arith.constant dense<0.000000e+00> : vector<512x1024xf32>
    %dot_general3A_560 = tpu.matmul %convert_element_type3A, %get3A_558, %dot_general3A_559 {dimension_numbers = #tpu.dot_dimension_numbers<[1], [1], [0], [0], [0, 0, 1, 0], [], []>, transpose_lhs_hint = false} : vector<512x256xbf16>, vector<1024x256xbf16>, vector<512x1024xf32> -> vector<512x1024xf32>
    %get3A_561 = arith.constant 0 : index
    %get3A_562 = arith.constant 5120 : index
    %get3A_563 = vector.load %arg3[%get3A_561, %get3A_562] : memref<1x8192xf32, #tpu.memory_space<vmem>>, vector<1x128xf32>
    %slice3A_564 = vector.extract_strided_slice %dot_general3A_560 {offsets = [0, 0], sizes = [512, 128], strides = [1, 1]} : vector<512x1024xf32> to vector<512x128xf32>
    %add3A_565 = vector.broadcast %get3A_563 : vector<1x128xf32> to vector<512x128xf32>
    %add3A_566 = arith.addf %add3A_565, %slice3A_564 : vector<512x128xf32>
    %broadcast_in_dim3A_567 = arith.constant 0.000000e+00 : f32
    %broadcast_in_dim3A_568 = vector.broadcast %broadcast_in_dim3A_567 : f32 to vector<512x128xf32>
    %get3A_569 = arith.constant 0 : index
    %get3A_570 = arith.constant 5248 : index
    %get3A_571 = vector.load %arg3[%get3A_569, %get3A_570] : memref<1x8192xf32, #tpu.memory_space<vmem>>, vector<1x128xf32>
    %slice3A_572 = vector.extract_strided_slice %dot_general3A_560 {offsets = [0, 128], sizes = [512, 128], strides = [1, 1]} : vector<512x1024xf32> to vector<512x128xf32>
    %add3A_573 = vector.broadcast %get3A_571 : vector<1x128xf32> to vector<512x128xf32>
    %add3A_574 = arith.addf %add3A_573, %slice3A_572 : vector<512x128xf32>
    %lt3A_575 = arith.cmpf olt, %add3A_574, %add3A_566 : vector<512x128xf32>
    %select_n3A_576 = arith.select %lt3A_575, %add3A_574, %add3A_566 : vector<512x128xi1>, vector<512x128xf32>
    %jit3A_577 = arith.constant 1.000000e+00 : f32
    %broadcast_in_dim3A_578 = vector.broadcast %jit3A_577 : f32 to vector<512x128xf32>
    %select_n3A_579 = arith.select %lt3A_575, %broadcast_in_dim3A_578, %broadcast_in_dim3A_568 : vector<512x128xi1>, vector<512x128xf32>
    %get3A_580 = arith.constant 0 : index
    %get3A_581 = arith.constant 5376 : index
    %get3A_582 = vector.load %arg3[%get3A_580, %get3A_581] : memref<1x8192xf32, #tpu.memory_space<vmem>>, vector<1x128xf32>
    %slice3A_583 = vector.extract_strided_slice %dot_general3A_560 {offsets = [0, 256], sizes = [512, 128], strides = [1, 1]} : vector<512x1024xf32> to vector<512x128xf32>
    %add3A_584 = vector.broadcast %get3A_582 : vector<1x128xf32> to vector<512x128xf32>
    %add3A_585 = arith.addf %add3A_584, %slice3A_583 : vector<512x128xf32>
    %lt3A_586 = arith.cmpf olt, %add3A_585, %select_n3A_576 : vector<512x128xf32>
    %select_n3A_587 = arith.select %lt3A_586, %add3A_585, %select_n3A_576 : vector<512x128xi1>, vector<512x128xf32>
    %jit3A_588 = arith.constant 2.000000e+00 : f32
    %broadcast_in_dim3A_589 = vector.broadcast %jit3A_588 : f32 to vector<512x128xf32>
    %select_n3A_590 = arith.select %lt3A_586, %broadcast_in_dim3A_589, %select_n3A_579 : vector<512x128xi1>, vector<512x128xf32>
    %get3A_591 = arith.constant 0 : index
    %get3A_592 = arith.constant 5504 : index
    %get3A_593 = vector.load %arg3[%get3A_591, %get3A_592] : memref<1x8192xf32, #tpu.memory_space<vmem>>, vector<1x128xf32>
    %slice3A_594 = vector.extract_strided_slice %dot_general3A_560 {offsets = [0, 384], sizes = [512, 128], strides = [1, 1]} : vector<512x1024xf32> to vector<512x128xf32>
    %add3A_595 = vector.broadcast %get3A_593 : vector<1x128xf32> to vector<512x128xf32>
    %add3A_596 = arith.addf %add3A_595, %slice3A_594 : vector<512x128xf32>
    %lt3A_597 = arith.cmpf olt, %add3A_596, %select_n3A_587 : vector<512x128xf32>
    %select_n3A_598 = arith.select %lt3A_597, %add3A_596, %select_n3A_587 : vector<512x128xi1>, vector<512x128xf32>
    %jit3A_599 = arith.constant 3.000000e+00 : f32
    %broadcast_in_dim3A_600 = vector.broadcast %jit3A_599 : f32 to vector<512x128xf32>
    %select_n3A_601 = arith.select %lt3A_597, %broadcast_in_dim3A_600, %select_n3A_590 : vector<512x128xi1>, vector<512x128xf32>
    %get3A_602 = arith.constant 0 : index
    %get3A_603 = arith.constant 5632 : index
    %get3A_604 = vector.load %arg3[%get3A_602, %get3A_603] : memref<1x8192xf32, #tpu.memory_space<vmem>>, vector<1x128xf32>
    %slice3A_605 = vector.extract_strided_slice %dot_general3A_560 {offsets = [0, 512], sizes = [512, 128], strides = [1, 1]} : vector<512x1024xf32> to vector<512x128xf32>
    %add3A_606 = vector.broadcast %get3A_604 : vector<1x128xf32> to vector<512x128xf32>
    %add3A_607 = arith.addf %add3A_606, %slice3A_605 : vector<512x128xf32>
    %lt3A_608 = arith.cmpf olt, %add3A_607, %select_n3A_598 : vector<512x128xf32>
    %select_n3A_609 = arith.select %lt3A_608, %add3A_607, %select_n3A_598 : vector<512x128xi1>, vector<512x128xf32>
    %jit3A_610 = arith.constant 4.000000e+00 : f32
    %broadcast_in_dim3A_611 = vector.broadcast %jit3A_610 : f32 to vector<512x128xf32>
    %select_n3A_612 = arith.select %lt3A_608, %broadcast_in_dim3A_611, %select_n3A_601 : vector<512x128xi1>, vector<512x128xf32>
    %get3A_613 = arith.constant 0 : index
    %get3A_614 = arith.constant 5760 : index
    %get3A_615 = vector.load %arg3[%get3A_613, %get3A_614] : memref<1x8192xf32, #tpu.memory_space<vmem>>, vector<1x128xf32>
    %slice3A_616 = vector.extract_strided_slice %dot_general3A_560 {offsets = [0, 640], sizes = [512, 128], strides = [1, 1]} : vector<512x1024xf32> to vector<512x128xf32>
    %add3A_617 = vector.broadcast %get3A_615 : vector<1x128xf32> to vector<512x128xf32>
    %add3A_618 = arith.addf %add3A_617, %slice3A_616 : vector<512x128xf32>
    %lt3A_619 = arith.cmpf olt, %add3A_618, %select_n3A_609 : vector<512x128xf32>
    %select_n3A_620 = arith.select %lt3A_619, %add3A_618, %select_n3A_609 : vector<512x128xi1>, vector<512x128xf32>
    %jit3A_621 = arith.constant 5.000000e+00 : f32
    %broadcast_in_dim3A_622 = vector.broadcast %jit3A_621 : f32 to vector<512x128xf32>
    %select_n3A_623 = arith.select %lt3A_619, %broadcast_in_dim3A_622, %select_n3A_612 : vector<512x128xi1>, vector<512x128xf32>
    %get3A_624 = arith.constant 0 : index
    %get3A_625 = arith.constant 5888 : index
    %get3A_626 = vector.load %arg3[%get3A_624, %get3A_625] : memref<1x8192xf32, #tpu.memory_space<vmem>>, vector<1x128xf32>
    %slice3A_627 = vector.extract_strided_slice %dot_general3A_560 {offsets = [0, 768], sizes = [512, 128], strides = [1, 1]} : vector<512x1024xf32> to vector<512x128xf32>
    %add3A_628 = vector.broadcast %get3A_626 : vector<1x128xf32> to vector<512x128xf32>
    %add3A_629 = arith.addf %add3A_628, %slice3A_627 : vector<512x128xf32>
    %lt3A_630 = arith.cmpf olt, %add3A_629, %select_n3A_620 : vector<512x128xf32>
    %select_n3A_631 = arith.select %lt3A_630, %add3A_629, %select_n3A_620 : vector<512x128xi1>, vector<512x128xf32>
    %jit3A_632 = arith.constant 6.000000e+00 : f32
    %broadcast_in_dim3A_633 = vector.broadcast %jit3A_632 : f32 to vector<512x128xf32>
    %select_n3A_634 = arith.select %lt3A_630, %broadcast_in_dim3A_633, %select_n3A_623 : vector<512x128xi1>, vector<512x128xf32>
    %get3A_635 = arith.constant 0 : index
    %get3A_636 = arith.constant 6016 : index
    %get3A_637 = vector.load %arg3[%get3A_635, %get3A_636] : memref<1x8192xf32, #tpu.memory_space<vmem>>, vector<1x128xf32>
    %slice3A_638 = vector.extract_strided_slice %dot_general3A_560 {offsets = [0, 896], sizes = [512, 128], strides = [1, 1]} : vector<512x1024xf32> to vector<512x128xf32>
    %add3A_639 = vector.broadcast %get3A_637 : vector<1x128xf32> to vector<512x128xf32>
    %add3A_640 = arith.addf %add3A_639, %slice3A_638 : vector<512x128xf32>
    %lt3A_641 = arith.cmpf olt, %add3A_640, %select_n3A_631 : vector<512x128xf32>
    %select_n3A_642 = arith.select %lt3A_641, %add3A_640, %select_n3A_631 : vector<512x128xi1>, vector<512x128xf32>
    %jit3A_643 = arith.constant 7.000000e+00 : f32
    %broadcast_in_dim3A_644 = vector.broadcast %jit3A_643 : f32 to vector<512x128xf32>
    %select_n3A_645 = arith.select %lt3A_641, %broadcast_in_dim3A_644, %select_n3A_634 : vector<512x128xi1>, vector<512x128xf32>
    %reduce_min3A_646 = arith.constant dense<0x7F800000> : vector<512xf32>
    %reduce_min3A_647 = vector.multi_reduction <minimumf>, %select_n3A_642, %reduce_min3A_646 [1] : vector<512x128xf32> to vector<512xf32>
    %broadcast_in_dim3A_648 = vector.shape_cast %reduce_min3A_647 : vector<512xf32> to vector<512x1xf32>
    %eq3A_649 = vector.broadcast %broadcast_in_dim3A_648 : vector<512x1xf32> to vector<512x128xf32>
    %eq3A_650 = arith.cmpf oeq, %select_n3A_642, %eq3A_649 : vector<512x128xf32>
    %mul3A_651 = arith.constant 1.280000e+02 : f32
    %mul3A_652 = vector.broadcast %mul3A_651 : f32 to vector<512x128xf32>
    %mul3A_653 = arith.mulf %select_n3A_645, %mul3A_652 : vector<512x128xf32>
    %add3A_654 = arith.addf %mul3A_653, %convert_element_type3A_6 : vector<512x128xf32>
    %jit3A_655 = arith.constant 1.024000e+03 : f32
    %broadcast_in_dim3A_656 = vector.broadcast %jit3A_655 : f32 to vector<512x128xf32>
    %select_n3A_657 = arith.select %eq3A_650, %add3A_654, %broadcast_in_dim3A_656 : vector<512x128xi1>, vector<512x128xf32>
    %reduce_min3A_658 = arith.constant dense<0x7F800000> : vector<512xf32>
    %reduce_min3A_659 = vector.multi_reduction <minimumf>, %select_n3A_657, %reduce_min3A_658 [1] : vector<512x128xf32> to vector<512xf32>
    %broadcast_in_dim3A_660 = vector.shape_cast %reduce_min3A_659 : vector<512xf32> to vector<512x1xf32>
    %convert_element_type3A_661 = arith.fptosi %broadcast_in_dim3A_660 : vector<512x1xf32> to vector<512x1xi32>
    %add3A_662 = arith.constant 5120 : i32
    %add3A_663 = vector.broadcast %add3A_662 : i32 to vector<512x1xi32>
    %add3A_664 = arith.addi %convert_element_type3A_661, %add3A_663 : vector<512x1xi32>
    %lt3A_665 = arith.cmpf olt, %broadcast_in_dim3A_648, %select_n3A_554 : vector<512x1xf32>
    %select_n3A_666 = arith.select %lt3A_665, %broadcast_in_dim3A_648, %select_n3A_554 : vector<512x1xi1>, vector<512x1xf32>
    %select_n3A_667 = arith.select %lt3A_665, %add3A_664, %select_n3A_555 : vector<512x1xi1>, vector<512x1xi32>
    %get3A_668 = arith.constant 6144 : index
    %get3A_669 = arith.constant 0 : index
    %get3A_670 = vector.load %arg2[%get3A_668, %get3A_669] : memref<8192x256xbf16, #tpu.memory_space<vmem>>, vector<1024x256xbf16>
    %dot_general3A_671 = arith.constant dense<0.000000e+00> : vector<512x1024xf32>
    %dot_general3A_672 = tpu.matmul %convert_element_type3A, %get3A_670, %dot_general3A_671 {dimension_numbers = #tpu.dot_dimension_numbers<[1], [1], [0], [0], [0, 0, 1, 0], [], []>, transpose_lhs_hint = false} : vector<512x256xbf16>, vector<1024x256xbf16>, vector<512x1024xf32> -> vector<512x1024xf32>
    %get3A_673 = arith.constant 0 : index
    %get3A_674 = arith.constant 6144 : index
    %get3A_675 = vector.load %arg3[%get3A_673, %get3A_674] : memref<1x8192xf32, #tpu.memory_space<vmem>>, vector<1x128xf32>
    %slice3A_676 = vector.extract_strided_slice %dot_general3A_672 {offsets = [0, 0], sizes = [512, 128], strides = [1, 1]} : vector<512x1024xf32> to vector<512x128xf32>
    %add3A_677 = vector.broadcast %get3A_675 : vector<1x128xf32> to vector<512x128xf32>
    %add3A_678 = arith.addf %add3A_677, %slice3A_676 : vector<512x128xf32>
    %broadcast_in_dim3A_679 = arith.constant 0.000000e+00 : f32
    %broadcast_in_dim3A_680 = vector.broadcast %broadcast_in_dim3A_679 : f32 to vector<512x128xf32>
    %get3A_681 = arith.constant 0 : index
    %get3A_682 = arith.constant 6272 : index
    %get3A_683 = vector.load %arg3[%get3A_681, %get3A_682] : memref<1x8192xf32, #tpu.memory_space<vmem>>, vector<1x128xf32>
    %slice3A_684 = vector.extract_strided_slice %dot_general3A_672 {offsets = [0, 128], sizes = [512, 128], strides = [1, 1]} : vector<512x1024xf32> to vector<512x128xf32>
    %add3A_685 = vector.broadcast %get3A_683 : vector<1x128xf32> to vector<512x128xf32>
    %add3A_686 = arith.addf %add3A_685, %slice3A_684 : vector<512x128xf32>
    %lt3A_687 = arith.cmpf olt, %add3A_686, %add3A_678 : vector<512x128xf32>
    %select_n3A_688 = arith.select %lt3A_687, %add3A_686, %add3A_678 : vector<512x128xi1>, vector<512x128xf32>
    %jit3A_689 = arith.constant 1.000000e+00 : f32
    %broadcast_in_dim3A_690 = vector.broadcast %jit3A_689 : f32 to vector<512x128xf32>
    %select_n3A_691 = arith.select %lt3A_687, %broadcast_in_dim3A_690, %broadcast_in_dim3A_680 : vector<512x128xi1>, vector<512x128xf32>
    %get3A_692 = arith.constant 0 : index
    %get3A_693 = arith.constant 6400 : index
    %get3A_694 = vector.load %arg3[%get3A_692, %get3A_693] : memref<1x8192xf32, #tpu.memory_space<vmem>>, vector<1x128xf32>
    %slice3A_695 = vector.extract_strided_slice %dot_general3A_672 {offsets = [0, 256], sizes = [512, 128], strides = [1, 1]} : vector<512x1024xf32> to vector<512x128xf32>
    %add3A_696 = vector.broadcast %get3A_694 : vector<1x128xf32> to vector<512x128xf32>
    %add3A_697 = arith.addf %add3A_696, %slice3A_695 : vector<512x128xf32>
    %lt3A_698 = arith.cmpf olt, %add3A_697, %select_n3A_688 : vector<512x128xf32>
    %select_n3A_699 = arith.select %lt3A_698, %add3A_697, %select_n3A_688 : vector<512x128xi1>, vector<512x128xf32>
    %jit3A_700 = arith.constant 2.000000e+00 : f32
    %broadcast_in_dim3A_701 = vector.broadcast %jit3A_700 : f32 to vector<512x128xf32>
    %select_n3A_702 = arith.select %lt3A_698, %broadcast_in_dim3A_701, %select_n3A_691 : vector<512x128xi1>, vector<512x128xf32>
    %get3A_703 = arith.constant 0 : index
    %get3A_704 = arith.constant 6528 : index
    %get3A_705 = vector.load %arg3[%get3A_703, %get3A_704] : memref<1x8192xf32, #tpu.memory_space<vmem>>, vector<1x128xf32>
    %slice3A_706 = vector.extract_strided_slice %dot_general3A_672 {offsets = [0, 384], sizes = [512, 128], strides = [1, 1]} : vector<512x1024xf32> to vector<512x128xf32>
    %add3A_707 = vector.broadcast %get3A_705 : vector<1x128xf32> to vector<512x128xf32>
    %add3A_708 = arith.addf %add3A_707, %slice3A_706 : vector<512x128xf32>
    %lt3A_709 = arith.cmpf olt, %add3A_708, %select_n3A_699 : vector<512x128xf32>
    %select_n3A_710 = arith.select %lt3A_709, %add3A_708, %select_n3A_699 : vector<512x128xi1>, vector<512x128xf32>
    %jit3A_711 = arith.constant 3.000000e+00 : f32
    %broadcast_in_dim3A_712 = vector.broadcast %jit3A_711 : f32 to vector<512x128xf32>
    %select_n3A_713 = arith.select %lt3A_709, %broadcast_in_dim3A_712, %select_n3A_702 : vector<512x128xi1>, vector<512x128xf32>
    %get3A_714 = arith.constant 0 : index
    %get3A_715 = arith.constant 6656 : index
    %get3A_716 = vector.load %arg3[%get3A_714, %get3A_715] : memref<1x8192xf32, #tpu.memory_space<vmem>>, vector<1x128xf32>
    %slice3A_717 = vector.extract_strided_slice %dot_general3A_672 {offsets = [0, 512], sizes = [512, 128], strides = [1, 1]} : vector<512x1024xf32> to vector<512x128xf32>
    %add3A_718 = vector.broadcast %get3A_716 : vector<1x128xf32> to vector<512x128xf32>
    %add3A_719 = arith.addf %add3A_718, %slice3A_717 : vector<512x128xf32>
    %lt3A_720 = arith.cmpf olt, %add3A_719, %select_n3A_710 : vector<512x128xf32>
    %select_n3A_721 = arith.select %lt3A_720, %add3A_719, %select_n3A_710 : vector<512x128xi1>, vector<512x128xf32>
    %jit3A_722 = arith.constant 4.000000e+00 : f32
    %broadcast_in_dim3A_723 = vector.broadcast %jit3A_722 : f32 to vector<512x128xf32>
    %select_n3A_724 = arith.select %lt3A_720, %broadcast_in_dim3A_723, %select_n3A_713 : vector<512x128xi1>, vector<512x128xf32>
    %get3A_725 = arith.constant 0 : index
    %get3A_726 = arith.constant 6784 : index
    %get3A_727 = vector.load %arg3[%get3A_725, %get3A_726] : memref<1x8192xf32, #tpu.memory_space<vmem>>, vector<1x128xf32>
    %slice3A_728 = vector.extract_strided_slice %dot_general3A_672 {offsets = [0, 640], sizes = [512, 128], strides = [1, 1]} : vector<512x1024xf32> to vector<512x128xf32>
    %add3A_729 = vector.broadcast %get3A_727 : vector<1x128xf32> to vector<512x128xf32>
    %add3A_730 = arith.addf %add3A_729, %slice3A_728 : vector<512x128xf32>
    %lt3A_731 = arith.cmpf olt, %add3A_730, %select_n3A_721 : vector<512x128xf32>
    %select_n3A_732 = arith.select %lt3A_731, %add3A_730, %select_n3A_721 : vector<512x128xi1>, vector<512x128xf32>
    %jit3A_733 = arith.constant 5.000000e+00 : f32
    %broadcast_in_dim3A_734 = vector.broadcast %jit3A_733 : f32 to vector<512x128xf32>
    %select_n3A_735 = arith.select %lt3A_731, %broadcast_in_dim3A_734, %select_n3A_724 : vector<512x128xi1>, vector<512x128xf32>
    %get3A_736 = arith.constant 0 : index
    %get3A_737 = arith.constant 6912 : index
    %get3A_738 = vector.load %arg3[%get3A_736, %get3A_737] : memref<1x8192xf32, #tpu.memory_space<vmem>>, vector<1x128xf32>
    %slice3A_739 = vector.extract_strided_slice %dot_general3A_672 {offsets = [0, 768], sizes = [512, 128], strides = [1, 1]} : vector<512x1024xf32> to vector<512x128xf32>
    %add3A_740 = vector.broadcast %get3A_738 : vector<1x128xf32> to vector<512x128xf32>
    %add3A_741 = arith.addf %add3A_740, %slice3A_739 : vector<512x128xf32>
    %lt3A_742 = arith.cmpf olt, %add3A_741, %select_n3A_732 : vector<512x128xf32>
    %select_n3A_743 = arith.select %lt3A_742, %add3A_741, %select_n3A_732 : vector<512x128xi1>, vector<512x128xf32>
    %jit3A_744 = arith.constant 6.000000e+00 : f32
    %broadcast_in_dim3A_745 = vector.broadcast %jit3A_744 : f32 to vector<512x128xf32>
    %select_n3A_746 = arith.select %lt3A_742, %broadcast_in_dim3A_745, %select_n3A_735 : vector<512x128xi1>, vector<512x128xf32>
    %get3A_747 = arith.constant 0 : index
    %get3A_748 = arith.constant 7040 : index
    %get3A_749 = vector.load %arg3[%get3A_747, %get3A_748] : memref<1x8192xf32, #tpu.memory_space<vmem>>, vector<1x128xf32>
    %slice3A_750 = vector.extract_strided_slice %dot_general3A_672 {offsets = [0, 896], sizes = [512, 128], strides = [1, 1]} : vector<512x1024xf32> to vector<512x128xf32>
    %add3A_751 = vector.broadcast %get3A_749 : vector<1x128xf32> to vector<512x128xf32>
    %add3A_752 = arith.addf %add3A_751, %slice3A_750 : vector<512x128xf32>
    %lt3A_753 = arith.cmpf olt, %add3A_752, %select_n3A_743 : vector<512x128xf32>
    %select_n3A_754 = arith.select %lt3A_753, %add3A_752, %select_n3A_743 : vector<512x128xi1>, vector<512x128xf32>
    %jit3A_755 = arith.constant 7.000000e+00 : f32
    %broadcast_in_dim3A_756 = vector.broadcast %jit3A_755 : f32 to vector<512x128xf32>
    %select_n3A_757 = arith.select %lt3A_753, %broadcast_in_dim3A_756, %select_n3A_746 : vector<512x128xi1>, vector<512x128xf32>
    %reduce_min3A_758 = arith.constant dense<0x7F800000> : vector<512xf32>
    %reduce_min3A_759 = vector.multi_reduction <minimumf>, %select_n3A_754, %reduce_min3A_758 [1] : vector<512x128xf32> to vector<512xf32>
    %broadcast_in_dim3A_760 = vector.shape_cast %reduce_min3A_759 : vector<512xf32> to vector<512x1xf32>
    %eq3A_761 = vector.broadcast %broadcast_in_dim3A_760 : vector<512x1xf32> to vector<512x128xf32>
    %eq3A_762 = arith.cmpf oeq, %select_n3A_754, %eq3A_761 : vector<512x128xf32>
    %mul3A_763 = arith.constant 1.280000e+02 : f32
    %mul3A_764 = vector.broadcast %mul3A_763 : f32 to vector<512x128xf32>
    %mul3A_765 = arith.mulf %select_n3A_757, %mul3A_764 : vector<512x128xf32>
    %add3A_766 = arith.addf %mul3A_765, %convert_element_type3A_6 : vector<512x128xf32>
    %jit3A_767 = arith.constant 1.024000e+03 : f32
    %broadcast_in_dim3A_768 = vector.broadcast %jit3A_767 : f32 to vector<512x128xf32>
    %select_n3A_769 = arith.select %eq3A_762, %add3A_766, %broadcast_in_dim3A_768 : vector<512x128xi1>, vector<512x128xf32>
    %reduce_min3A_770 = arith.constant dense<0x7F800000> : vector<512xf32>
    %reduce_min3A_771 = vector.multi_reduction <minimumf>, %select_n3A_769, %reduce_min3A_770 [1] : vector<512x128xf32> to vector<512xf32>
    %broadcast_in_dim3A_772 = vector.shape_cast %reduce_min3A_771 : vector<512xf32> to vector<512x1xf32>
    %convert_element_type3A_773 = arith.fptosi %broadcast_in_dim3A_772 : vector<512x1xf32> to vector<512x1xi32>
    %add3A_774 = arith.constant 6144 : i32
    %add3A_775 = vector.broadcast %add3A_774 : i32 to vector<512x1xi32>
    %add3A_776 = arith.addi %convert_element_type3A_773, %add3A_775 : vector<512x1xi32>
    %lt3A_777 = arith.cmpf olt, %broadcast_in_dim3A_760, %select_n3A_666 : vector<512x1xf32>
    %select_n3A_778 = arith.select %lt3A_777, %broadcast_in_dim3A_760, %select_n3A_666 : vector<512x1xi1>, vector<512x1xf32>
    %select_n3A_779 = arith.select %lt3A_777, %add3A_776, %select_n3A_667 : vector<512x1xi1>, vector<512x1xi32>
    %get3A_780 = arith.constant 7168 : index
    %get3A_781 = arith.constant 0 : index
    %get3A_782 = vector.load %arg2[%get3A_780, %get3A_781] : memref<8192x256xbf16, #tpu.memory_space<vmem>>, vector<1024x256xbf16>
    %dot_general3A_783 = arith.constant dense<0.000000e+00> : vector<512x1024xf32>
    %dot_general3A_784 = tpu.matmul %convert_element_type3A, %get3A_782, %dot_general3A_783 {dimension_numbers = #tpu.dot_dimension_numbers<[1], [1], [0], [0], [0, 0, 1, 0], [], []>, transpose_lhs_hint = false} : vector<512x256xbf16>, vector<1024x256xbf16>, vector<512x1024xf32> -> vector<512x1024xf32>
    %get3A_785 = arith.constant 0 : index
    %get3A_786 = arith.constant 7168 : index
    %get3A_787 = vector.load %arg3[%get3A_785, %get3A_786] : memref<1x8192xf32, #tpu.memory_space<vmem>>, vector<1x128xf32>
    %slice3A_788 = vector.extract_strided_slice %dot_general3A_784 {offsets = [0, 0], sizes = [512, 128], strides = [1, 1]} : vector<512x1024xf32> to vector<512x128xf32>
    %add3A_789 = vector.broadcast %get3A_787 : vector<1x128xf32> to vector<512x128xf32>
    %add3A_790 = arith.addf %add3A_789, %slice3A_788 : vector<512x128xf32>
    %broadcast_in_dim3A_791 = arith.constant 0.000000e+00 : f32
    %broadcast_in_dim3A_792 = vector.broadcast %broadcast_in_dim3A_791 : f32 to vector<512x128xf32>
    %get3A_793 = arith.constant 0 : index
    %get3A_794 = arith.constant 7296 : index
    %get3A_795 = vector.load %arg3[%get3A_793, %get3A_794] : memref<1x8192xf32, #tpu.memory_space<vmem>>, vector<1x128xf32>
    %slice3A_796 = vector.extract_strided_slice %dot_general3A_784 {offsets = [0, 128], sizes = [512, 128], strides = [1, 1]} : vector<512x1024xf32> to vector<512x128xf32>
    %add3A_797 = vector.broadcast %get3A_795 : vector<1x128xf32> to vector<512x128xf32>
    %add3A_798 = arith.addf %add3A_797, %slice3A_796 : vector<512x128xf32>
    %lt3A_799 = arith.cmpf olt, %add3A_798, %add3A_790 : vector<512x128xf32>
    %select_n3A_800 = arith.select %lt3A_799, %add3A_798, %add3A_790 : vector<512x128xi1>, vector<512x128xf32>
    %jit3A_801 = arith.constant 1.000000e+00 : f32
    %broadcast_in_dim3A_802 = vector.broadcast %jit3A_801 : f32 to vector<512x128xf32>
    %select_n3A_803 = arith.select %lt3A_799, %broadcast_in_dim3A_802, %broadcast_in_dim3A_792 : vector<512x128xi1>, vector<512x128xf32>
    %get3A_804 = arith.constant 0 : index
    %get3A_805 = arith.constant 7424 : index
    %get3A_806 = vector.load %arg3[%get3A_804, %get3A_805] : memref<1x8192xf32, #tpu.memory_space<vmem>>, vector<1x128xf32>
    %slice3A_807 = vector.extract_strided_slice %dot_general3A_784 {offsets = [0, 256], sizes = [512, 128], strides = [1, 1]} : vector<512x1024xf32> to vector<512x128xf32>
    %add3A_808 = vector.broadcast %get3A_806 : vector<1x128xf32> to vector<512x128xf32>
    %add3A_809 = arith.addf %add3A_808, %slice3A_807 : vector<512x128xf32>
    %lt3A_810 = arith.cmpf olt, %add3A_809, %select_n3A_800 : vector<512x128xf32>
    %select_n3A_811 = arith.select %lt3A_810, %add3A_809, %select_n3A_800 : vector<512x128xi1>, vector<512x128xf32>
    %jit3A_812 = arith.constant 2.000000e+00 : f32
    %broadcast_in_dim3A_813 = vector.broadcast %jit3A_812 : f32 to vector<512x128xf32>
    %select_n3A_814 = arith.select %lt3A_810, %broadcast_in_dim3A_813, %select_n3A_803 : vector<512x128xi1>, vector<512x128xf32>
    %get3A_815 = arith.constant 0 : index
    %get3A_816 = arith.constant 7552 : index
    %get3A_817 = vector.load %arg3[%get3A_815, %get3A_816] : memref<1x8192xf32, #tpu.memory_space<vmem>>, vector<1x128xf32>
    %slice3A_818 = vector.extract_strided_slice %dot_general3A_784 {offsets = [0, 384], sizes = [512, 128], strides = [1, 1]} : vector<512x1024xf32> to vector<512x128xf32>
    %add3A_819 = vector.broadcast %get3A_817 : vector<1x128xf32> to vector<512x128xf32>
    %add3A_820 = arith.addf %add3A_819, %slice3A_818 : vector<512x128xf32>
    %lt3A_821 = arith.cmpf olt, %add3A_820, %select_n3A_811 : vector<512x128xf32>
    %select_n3A_822 = arith.select %lt3A_821, %add3A_820, %select_n3A_811 : vector<512x128xi1>, vector<512x128xf32>
    %jit3A_823 = arith.constant 3.000000e+00 : f32
    %broadcast_in_dim3A_824 = vector.broadcast %jit3A_823 : f32 to vector<512x128xf32>
    %select_n3A_825 = arith.select %lt3A_821, %broadcast_in_dim3A_824, %select_n3A_814 : vector<512x128xi1>, vector<512x128xf32>
    %get3A_826 = arith.constant 0 : index
    %get3A_827 = arith.constant 7680 : index
    %get3A_828 = vector.load %arg3[%get3A_826, %get3A_827] : memref<1x8192xf32, #tpu.memory_space<vmem>>, vector<1x128xf32>
    %slice3A_829 = vector.extract_strided_slice %dot_general3A_784 {offsets = [0, 512], sizes = [512, 128], strides = [1, 1]} : vector<512x1024xf32> to vector<512x128xf32>
    %add3A_830 = vector.broadcast %get3A_828 : vector<1x128xf32> to vector<512x128xf32>
    %add3A_831 = arith.addf %add3A_830, %slice3A_829 : vector<512x128xf32>
    %lt3A_832 = arith.cmpf olt, %add3A_831, %select_n3A_822 : vector<512x128xf32>
    %select_n3A_833 = arith.select %lt3A_832, %add3A_831, %select_n3A_822 : vector<512x128xi1>, vector<512x128xf32>
    %jit3A_834 = arith.constant 4.000000e+00 : f32
    %broadcast_in_dim3A_835 = vector.broadcast %jit3A_834 : f32 to vector<512x128xf32>
    %select_n3A_836 = arith.select %lt3A_832, %broadcast_in_dim3A_835, %select_n3A_825 : vector<512x128xi1>, vector<512x128xf32>
    %get3A_837 = arith.constant 0 : index
    %get3A_838 = arith.constant 7808 : index
    %get3A_839 = vector.load %arg3[%get3A_837, %get3A_838] : memref<1x8192xf32, #tpu.memory_space<vmem>>, vector<1x128xf32>
    %slice3A_840 = vector.extract_strided_slice %dot_general3A_784 {offsets = [0, 640], sizes = [512, 128], strides = [1, 1]} : vector<512x1024xf32> to vector<512x128xf32>
    %add3A_841 = vector.broadcast %get3A_839 : vector<1x128xf32> to vector<512x128xf32>
    %add3A_842 = arith.addf %add3A_841, %slice3A_840 : vector<512x128xf32>
    %lt3A_843 = arith.cmpf olt, %add3A_842, %select_n3A_833 : vector<512x128xf32>
    %select_n3A_844 = arith.select %lt3A_843, %add3A_842, %select_n3A_833 : vector<512x128xi1>, vector<512x128xf32>
    %jit3A_845 = arith.constant 5.000000e+00 : f32
    %broadcast_in_dim3A_846 = vector.broadcast %jit3A_845 : f32 to vector<512x128xf32>
    %select_n3A_847 = arith.select %lt3A_843, %broadcast_in_dim3A_846, %select_n3A_836 : vector<512x128xi1>, vector<512x128xf32>
    %get3A_848 = arith.constant 0 : index
    %get3A_849 = arith.constant 7936 : index
    %get3A_850 = vector.load %arg3[%get3A_848, %get3A_849] : memref<1x8192xf32, #tpu.memory_space<vmem>>, vector<1x128xf32>
    %slice3A_851 = vector.extract_strided_slice %dot_general3A_784 {offsets = [0, 768], sizes = [512, 128], strides = [1, 1]} : vector<512x1024xf32> to vector<512x128xf32>
    %add3A_852 = vector.broadcast %get3A_850 : vector<1x128xf32> to vector<512x128xf32>
    %add3A_853 = arith.addf %add3A_852, %slice3A_851 : vector<512x128xf32>
    %lt3A_854 = arith.cmpf olt, %add3A_853, %select_n3A_844 : vector<512x128xf32>
    %select_n3A_855 = arith.select %lt3A_854, %add3A_853, %select_n3A_844 : vector<512x128xi1>, vector<512x128xf32>
    %jit3A_856 = arith.constant 6.000000e+00 : f32
    %broadcast_in_dim3A_857 = vector.broadcast %jit3A_856 : f32 to vector<512x128xf32>
    %select_n3A_858 = arith.select %lt3A_854, %broadcast_in_dim3A_857, %select_n3A_847 : vector<512x128xi1>, vector<512x128xf32>
    %get3A_859 = arith.constant 0 : index
    %get3A_860 = arith.constant 8064 : index
    %get3A_861 = vector.load %arg3[%get3A_859, %get3A_860] : memref<1x8192xf32, #tpu.memory_space<vmem>>, vector<1x128xf32>
    %slice3A_862 = vector.extract_strided_slice %dot_general3A_784 {offsets = [0, 896], sizes = [512, 128], strides = [1, 1]} : vector<512x1024xf32> to vector<512x128xf32>
    %add3A_863 = vector.broadcast %get3A_861 : vector<1x128xf32> to vector<512x128xf32>
    %add3A_864 = arith.addf %add3A_863, %slice3A_862 : vector<512x128xf32>
    %lt3A_865 = arith.cmpf olt, %add3A_864, %select_n3A_855 : vector<512x128xf32>
    %select_n3A_866 = arith.select %lt3A_865, %add3A_864, %select_n3A_855 : vector<512x128xi1>, vector<512x128xf32>
    %jit3A_867 = arith.constant 7.000000e+00 : f32
    %broadcast_in_dim3A_868 = vector.broadcast %jit3A_867 : f32 to vector<512x128xf32>
    %select_n3A_869 = arith.select %lt3A_865, %broadcast_in_dim3A_868, %select_n3A_858 : vector<512x128xi1>, vector<512x128xf32>
    %reduce_min3A_870 = arith.constant dense<0x7F800000> : vector<512xf32>
    %reduce_min3A_871 = vector.multi_reduction <minimumf>, %select_n3A_866, %reduce_min3A_870 [1] : vector<512x128xf32> to vector<512xf32>
    %broadcast_in_dim3A_872 = vector.shape_cast %reduce_min3A_871 : vector<512xf32> to vector<512x1xf32>
    %eq3A_873 = vector.broadcast %broadcast_in_dim3A_872 : vector<512x1xf32> to vector<512x128xf32>
    %eq3A_874 = arith.cmpf oeq, %select_n3A_866, %eq3A_873 : vector<512x128xf32>
    %mul3A_875 = arith.constant 1.280000e+02 : f32
    %mul3A_876 = vector.broadcast %mul3A_875 : f32 to vector<512x128xf32>
    %mul3A_877 = arith.mulf %select_n3A_869, %mul3A_876 : vector<512x128xf32>
    %add3A_878 = arith.addf %mul3A_877, %convert_element_type3A_6 : vector<512x128xf32>
    %jit3A_879 = arith.constant 1.024000e+03 : f32
    %broadcast_in_dim3A_880 = vector.broadcast %jit3A_879 : f32 to vector<512x128xf32>
    %select_n3A_881 = arith.select %eq3A_874, %add3A_878, %broadcast_in_dim3A_880 : vector<512x128xi1>, vector<512x128xf32>
    %reduce_min3A_882 = arith.constant dense<0x7F800000> : vector<512xf32>
    %reduce_min3A_883 = vector.multi_reduction <minimumf>, %select_n3A_881, %reduce_min3A_882 [1] : vector<512x128xf32> to vector<512xf32>
    %broadcast_in_dim3A_884 = vector.shape_cast %reduce_min3A_883 : vector<512xf32> to vector<512x1xf32>
    %convert_element_type3A_885 = arith.fptosi %broadcast_in_dim3A_884 : vector<512x1xf32> to vector<512x1xi32>
    %add3A_886 = arith.constant 7168 : i32
    %add3A_887 = vector.broadcast %add3A_886 : i32 to vector<512x1xi32>
    %add3A_888 = arith.addi %convert_element_type3A_885, %add3A_887 : vector<512x1xi32>
    %lt3A_889 = arith.cmpf olt, %broadcast_in_dim3A_872, %select_n3A_778 : vector<512x1xf32>
    %select_n3A_890 = arith.select %lt3A_889, %broadcast_in_dim3A_872, %select_n3A_778 : vector<512x1xi1>, vector<512x1xf32>
    %select_n3A_891 = arith.select %lt3A_889, %add3A_888, %select_n3A_779 : vector<512x1xi1>, vector<512x1xi32>
    %add3A_892 = arith.addf %select_n3A_890, %broadcast_in_dim3A : vector<512x1xf32>
    %swap3A = arith.constant 0 : index
    %swap3A_893 = arith.constant 0 : index
    %swap3A_894 = vector.load %arg5[%swap3A, %swap3A_893] : memref<512x1xf32, #tpu.memory_space<vmem>>, vector<512x1xf32>
    tpu.vector_store %arg5[%swap3A, %swap3A_893], %add3A_892 {strides = array<i32>} : memref<512x1xf32, #tpu.memory_space<vmem>>, vector<512x1xf32>,
    %swap3A_895 = arith.constant 0 : index
    %swap3A_896 = arith.constant 0 : index
    %swap3A_897 = vector.load %arg4[%swap3A_895, %swap3A_896] : memref<512x1xi32, #tpu.memory_space<vmem>>, vector<512x1xi32>
    tpu.vector_store %arg4[%swap3A_895, %swap3A_896], %select_n3A_891 {strides = array<i32>} : memref<512x1xi32, #tpu.memory_space<vmem>>, vector<512x1xi32>,
    %reduce_sum3A_898 = vector.shape_cast %add3A_892 : vector<512x1xf32> to vector<1x512x1xf32>
    %reduce_sum3A_899 = arith.constant dense<0.000000e+00> : vector<1xf32>
    %reduce_sum3A_900 = vector.multi_reduction <add>, %reduce_sum3A_898, %reduce_sum3A_899 [1, 2] : vector<1x512x1xf32> to vector<1xf32>
    %reduce_sum3A_901 = vector.shape_cast %reduce_sum3A_900 : vector<1xf32> to vector<1x1x1xf32>
    %reduce_sum3A_902 = vector.extract %reduce_sum3A_901[0, 0, 0] : f32 from vector<1x1x1xf32>
    %broadcast_in_dim3A_903 = vector.broadcast %reduce_sum3A_902 : f32 to vector<1x1xf32>
    %eq3A_904 = arith.constant 0 : i32
    %eq3A_905 = arith.cmpi eq, %arg0, %eq3A_904 : i32
    %broadcast_in_dim3A_906 = arith.constant 0.000000e+00 : f32
    %broadcast_in_dim3A_907 = vector.broadcast %broadcast_in_dim3A_906 : f32 to vector<1x1xf32>
    %get3A_908 = arith.constant 0 : index
    %get3A_909 = arith.constant 0 : index
    %get3A_910 = vector.load %arg6[%get3A_908, %get3A_909] : memref<1x1xf32, #tpu.memory_space<vmem>>, vector<1x1xf32>
    %select_n3A_911 = arith.select %eq3A_905, %broadcast_in_dim3A_907, %get3A_910 : vector<1x1xf32>
    %add3A_912 = arith.addf %select_n3A_911, %broadcast_in_dim3A_903 : vector<1x1xf32>
    %eq3A_913 = arith.constant 15 : i32
    %eq3A_914 = arith.cmpi eq, %arg0, %eq3A_913 : i32
    %mul3A_915 = arith.constant 3.05175781E-5 : f32
    %mul3A_916 = vector.broadcast %mul3A_915 : f32 to vector<1x1xf32>
    %mul3A_917 = arith.mulf %add3A_912, %mul3A_916 : vector<1x1xf32>
    %select_n3A_918 = arith.select %eq3A_914, %mul3A_917, %add3A_912 : vector<1x1xf32>
    %swap3A_919 = arith.constant 0 : index
    %swap3A_920 = arith.constant 0 : index
    %swap3A_921 = vector.load %arg6[%swap3A_919, %swap3A_920] : memref<1x1xf32, #tpu.memory_space<vmem>>, vector<1x1xf32>
    tpu.vector_store %arg6[%swap3A_919, %swap3A_920], %select_n3A_918 {strides = array<i32>} : memref<1x1xf32, #tpu.memory_space<vmem>>, vector<1x1xf32>,
    return
  }
  func.func @transform_0(%arg0: i32) -> (i32, i32) {
    %c0_i32 = arith.constant 0 : i32
    %c0_i32_0 = arith.constant 0 : i32
    return %arg0, %c0_i32 : i32, i32
  }
  func.func @transform_1(%arg0: i32) -> (i32, i32) {
    %c0_i32 = arith.constant 0 : i32
    %c0_i32_0 = arith.constant 0 : i32
    %c0_i32_1 = arith.constant 0 : i32
    return %c0_i32, %c0_i32_0 : i32, i32
  }
  func.func @transform_2(%arg0: i32) -> (i32, i32) {
    %c0_i32 = arith.constant 0 : i32
    %c0_i32_0 = arith.constant 0 : i32
    %c0_i32_1 = arith.constant 0 : i32
    return %c0_i32, %c0_i32_0 : i32, i32
  }
  func.func @transform_3(%arg0: i32) -> (i32, i32) {
    %c0_i32 = arith.constant 0 : i32
    %c0_i32_0 = arith.constant 0 : i32
    return %arg0, %c0_i32 : i32, i32
  }
  func.func @transform_4(%arg0: i32) -> (i32, i32) {
    %c0_i32 = arith.constant 0 : i32
    %c0_i32_0 = arith.constant 0 : i32
    return %arg0, %c0_i32 : i32, i32
  }
  func.func @transform_5(%arg0: i32) -> (i32, i32) {
    %c0_i32 = arith.constant 0 : i32
    %c0_i32_0 = arith.constant 0 : i32
    %c0_i32_1 = arith.constant 0 : i32
    return %c0_i32, %c0_i32_0 : i32, i32
  }
}

module attributes {stable_mosaic.version = 14 : i64} {
  func.func @_e_prep_body(%arg0: i32, %arg1: memref<1024x256xf32, #tpu.memory_space<vmem>>, %arg2: memref<1024x256xbf16, #tpu.memory_space<vmem>>, %arg3: memref<1024x1xf32, #tpu.memory_space<vmem>>) attributes {dimension_semantics = [#tpu.dimension_semantics<arbitrary>], iteration_bounds = array<i64: 8>, scalar_prefetch = 0 : i64, scratch_operands = 0 : i64, tpu.core_type = #tpu.core_type<tc>, window_params = [{transform_indices = @transform_0, window_bounds = array<i64: 1024, 256>}, {transform_indices = @transform_1, window_bounds = array<i64: 1024, 256>}, {transform_indices = @transform_2, window_bounds = array<i64: 1024, 1>}]} {
    %get3A = arith.constant 0 : index
    %get3A_0 = arith.constant 0 : index
    %get3A_1 = vector.load %arg1[%get3A, %get3A_0] : memref<1024x256xf32, #tpu.memory_space<vmem>>, vector<1024x256xf32>
    %convert_element_type3A = arith.truncf %get3A_1 : vector<1024x256xf32> to vector<1024x256xbf16>
    %swap3A = arith.constant 0 : index
    %swap3A_2 = arith.constant 0 : index
    %swap3A_3 = vector.load %arg2[%swap3A, %swap3A_2] : memref<1024x256xbf16, #tpu.memory_space<vmem>>, vector<1024x256xbf16>
    tpu.vector_store %arg2[%swap3A, %swap3A_2], %convert_element_type3A {strides = array<i32>} : memref<1024x256xbf16, #tpu.memory_space<vmem>>, vector<1024x256xbf16>,
    %mul3A = arith.mulf %get3A_1, %get3A_1 : vector<1024x256xf32>
    %reduce_sum3A = arith.constant dense<0.000000e+00> : vector<1024xf32>
    %reduce_sum3A_4 = vector.multi_reduction <add>, %mul3A, %reduce_sum3A [1] : vector<1024x256xf32> to vector<1024xf32>
    %broadcast_in_dim3A = vector.shape_cast %reduce_sum3A_4 : vector<1024xf32> to vector<1024x1xf32>
    %swap3A_5 = arith.constant 0 : index
    %swap3A_6 = arith.constant 0 : index
    %swap3A_7 = vector.load %arg3[%swap3A_5, %swap3A_6] : memref<1024x1xf32, #tpu.memory_space<vmem>>, vector<1024x1xf32>
    tpu.vector_store %arg3[%swap3A_5, %swap3A_6], %broadcast_in_dim3A {strides = array<i32>} : memref<1024x1xf32, #tpu.memory_space<vmem>>, vector<1024x1xf32>,
    return
  }
  func.func @transform_0(%arg0: i32) -> (i32, i32) {
    %c0_i32 = arith.constant 0 : i32
    %c0_i32_0 = arith.constant 0 : i32
    return %arg0, %c0_i32 : i32, i32
  }
  func.func @transform_1(%arg0: i32) -> (i32, i32) {
    %c0_i32 = arith.constant 0 : i32
    %c0_i32_0 = arith.constant 0 : i32
    return %arg0, %c0_i32 : i32, i32
  }
  func.func @transform_2(%arg0: i32) -> (i32, i32) {
    %c0_i32 = arith.constant 0 : i32
    %c0_i32_0 = arith.constant 0 : i32
    return %arg0, %c0_i32 : i32, i32
  }
}

</mosaic_0001>

<sc_bundles>
// kernel: kernel.5.cloned.1.call-start
scs
__scs_entry_jumppad:
0x0: {  	(pc) =	sbr.rel $0x88, $3  }
0x1: {  	(tag) =	ssettag $0x0;
	lr =	simm.s32 $0x1  }
0x2: {  	[smem:$0x3F9F] =	sst lr;
	_ =	strace $0xD0000000  }
0x3: {  	_ = 	snop  }
0x4: {  	_ = 	snop  }
0x5: {  	_ = 	snop  }
0x6: {  	_ = 	snop  }
0x7: {  	_ = 	snop  }
__scs_overlays_trampoline_lowered:
0x8: {  	[smem:$0x3FAE] =	sst s0  }
0x9: {  	[smem:$0x3FAF] =	sst s1  }
0xa: {  	[smem:$0x3FB0] =	sst s2  }
0xb: {  	[smem:$0x3FB1] =	sst s3  }
0xc: {  	[smem:$0x3FB2] =	sst s4  }
0xd: {  	[smem:$0x3FB3] =	sst s5  }
0xe: {  	[smem:$0x3FB4] =	sst s6  }
0xf: {  	[smem:$0x3FB5] =	sst s7  }
0x10: {  	[smem:$0x3FB6] =	sst s8  }
0x11: {  	[smem:$0x3FB7] =	sst s9;
	s0 =	simm.s32 @!p0 $0x0  }
0x12: {  	s1 =	sld [smem:$0x3F9D];
	s0 =	simm.s32 @p0 $0x1  }
0x13: {  	[smem:$0x3FB8] =	sst s0;
	s0 =	simm.s32 @!p1 $0x0  }
0x14: {  	s2 =	sld [smem:$0x3F9C];
	s0 =	simm.s32 @p1 $0x1  }
0x15: {  	[smem:$0x3FB9] =	sst s0;
	s0 =	simm.s32 @!p2 $0x0  }
0x16: {  	s3 =	sld [smem:$0x3FDB];
	s0 =	simm.s32 @p2 $0x1  }
0x17: {  	s4 =	simm.s32 $0x1BF5;
	[smem:$0x3FBB] =	sst s0  }
0x18: {  	s0 =	sld [smem:$0x3F9E];
	_ =	swait.ge [sflag:s4], $0x0  }
0x19: {  	s7 =	sld [smem:$0x3F9F]  }
0x1a: {  	s8 =	sadd.s32 $0xFFFFE003, lr  }
0x1b: {  	s9 =	sadd.s32 $0xFFFFFEF7, lr;
	s5 =	simm.s32 $0xFFFFFFFF;
	p2 =	slt.u32 s8, $0xFFFFF086  }
0x1c: {  	p1 =	slt.u32 s9, $0xF7A;
	s5 =	simm.s32 @!p2 $0x0  }
0x1d: {  	s5 =	simm.s32 @p1 $0x1;
	p0 =	seq.s32 s7, s2  }
0x1e: {  	s7 =	smul.u32 @!p0 $0xF7A, s2;
	p2 =	seq.s32 @!p0 s5, $0x0  }
0x1f: {  	s9 =	smul.u32 $0xF7A, s1;
	s8 =	simm.s32 @!p0 $0x1BF5;
	p2 =	por !p2, p0  }
0x20: {  	[sflag:s8] =	ssyncset.s32 @!p0 $0xFFFFF086;
	s6 =	sadd.s32 @!p0 s3, s7;
	s7 =	simm.s32 @!p0 $0x108  }
0x21: {  	s3 =	sadd.s32 s3, s9;
	s6 =	sadd.s32 @!p0 $0x88, s6;
	s7 =	simm.s32 @p2 $0x1082  }
0x22: {  	[simem:s7], [sflag:s8] =	dma.local @!p0 [hbm:s6], $0xF7A  }
0x23: {  	s9 =	sor.u32 $0xD0000000, s2;
	s6 =	simm.s32 $0x108;
	_ =	swait.ge @!p0 [sflag:s8], $0x0  }
0x24: {  	s3 =	sadd.s32 $0x88, s3;
	s6 =	simm.s32 @!p1 $0x1082;
	[sflag:s4] =	ssyncset.s32 $0xFFFFF086  }
0x25: {  	[simem:s6], [sflag:s4] =	dma.local [hbm:s3], $0xF7A  }
0x26: {  	[smem:$0x3F9F] =	sst s1;
	(tag) =	ssettag s2;
	_ =	strace s9  }
0x27: {  	s1 =	sld [smem:$0x3FAF]  }
0x28: {  	s2 =	sld [smem:$0x3FB0]  }
0x29: {  	s4 =	sld [smem:$0x3FB2]  }
0x2a: {  	p0 =	seq.s32 s5, $0x0;
	s5 =	sld [smem:$0x3FB3]  }
0x2b: {  	s6 =	sld [smem:$0x3FB4]  }
0x2c: {  	s7 =	sld [smem:$0x3FB5]  }
0x2d: {  	s3 =	simm.s32 $0x108;
	s8 =	sld [smem:$0x3FB6]  }
0x2e: {  	s3 =	simm.s32 @!p0 $0x1082;
	s9 =	sld [smem:$0x3FB7]  }
0x2f: {  	lr =	sadd.s32 s0, s3;
	s0 =	sld [smem:$0x3FAE]  }
0x30: {  	s3 =	sld [smem:$0x3FB1]  }
0x31: {  	[smem:$0x3FBA] =	sst s10  }
0x32: {  	s10 =	sld [smem:$0x3FB8];
	_ =	sdelay $0x3  }
0x33: {  	p0 =	seq.s32 s10, $0x1;
	s10 =	sld [smem:$0x3FBA];
	_ =	sdelay $0x3  }
0x34: {  	[smem:$0x3FBA] =	sst s10  }
0x35: {  	s10 =	sld [smem:$0x3FB9];
	_ =	sdelay $0x3  }
0x36: {  	p1 =	seq.s32 s10, $0x1;
	s10 =	sld [smem:$0x3FBA];
	_ =	sdelay $0x3  }
0x37: {  	[smem:$0x3FBA] =	sst s10  }
0x38: {  	s10 =	sld [smem:$0x3FBB]  }
0x39: {  	_ = 	snop;
	(pc) =	sbr.ind lr, $3  }
0x3a: {  	_ = 	snop  }
0x3b: {  	_ = 	snop  }
0x3c: {  	p2 =	seq.s32 s10, $0x1;
	s10 =	sld [smem:$0x3FBA]  }
0x3d: {  	_ =	shalt  }
0x3e: {  	_ =	shalt  }
0x3f: {  	_ =	shalt  }
0x40: {  	_ =	shalt  }
0x41: {  	_ =	shalt  }
0x42: {  	_ =	shalt  }
0x43: {  	_ =	shalt  }
0x44: {  	_ =	shalt  }
0x45: {  	_ =	shalt  }
0x46: {  	_ =	shalt  }
0x47: {  	_ =	shalt  }
0x48: {  	_ =	shalt  }
0x49: {  	_ =	shalt  }
0x4a: {  	_ =	shalt  }
0x4b: {  	_ =	shalt  }
0x4c: {  	_ =	shalt  }
0x4d: {  	_ =	shalt  }
0x4e: {  	_ =	shalt  }
0x4f: {  	_ =	shalt  }
0x50: {  	_ =	shalt  }
0x51: {  	_ =	shalt  }
0x52: {  	_ =	shalt  }
0x53: {  	_ =	shalt  }
0x54: {  	_ =	shalt  }
0x55: {  	_ =	shalt  }
0x56: {  	_ =	shalt  }
0x57: {  	_ =	shalt  }
0x58: {  	_ =	shalt  }
0x59: {  	_ =	shalt  }
0x5a: {  	_ =	shalt  }
0x5b: {  	_ =	shalt  }
0x5c: {  	_ =	shalt  }
0x5d: {  	_ =	shalt  }
0x5e: {  	_ =	shalt  }
0x5f: {  	_ =	shalt  }
0x60: {  	_ =	shalt  }
0x61: {  	_ =	shalt  }
0x62: {  	_ =	shalt  }
0x63: {  	_ =	shalt  }
0x64: {  	_ =	shalt  }
0x65: {  	_ =	shalt  }
0x66: {  	_ =	shalt  }
0x67: {  	_ =	shalt  }
0x68: {  	_ =	shalt  }
0x69: {  	_ =	shalt  }
0x6a: {  	_ =	shalt  }
0x6b: {  	_ =	shalt  }
0x6c: {  	_ =	shalt  }
0x6d: {  	_ =	shalt  }
0x6e: {  	_ =	shalt  }
0x6f: {  	_ =	shalt  }
0x70: {  	_ =	shalt  }
0x71: {  	_ =	shalt  }
0x72: {  	_ =	shalt  }
0x73: {  	_ =	shalt  }
0x74: {  	_ =	shalt  }
0x75: {  	_ =	shalt  }
0x76: {  	_ =	shalt  }
0x77: {  	_ =	shalt  }
0x78: {  	_ =	shalt  }
0x79: {  	_ =	shalt  }
0x7a: {  	_ =	shalt  }
0x7b: {  	_ =	shalt  }
0x7c: {  	_ =	shalt  }
0x7d: {  	_ =	shalt  }
0x7e: {  	_ =	shalt  }
0x7f: {  	_ =	shalt  }
0x80: {  	_ =	shalt  }
0x81: {  	_ =	shalt  }
0x82: {  	_ =	shalt  }
0x83: {  	_ =	shalt  }
0x84: {  	_ =	shalt  }
0x85: {  	_ =	shalt  }
0x86: {  	_ =	shalt  }
0x87: {  	_ =	shalt  }
.Lfunc_end0:
.L_simem_size_0:
called_computation_lowered:
.L_overlay_start_0:
0x88: {  	s2 =	sld [smem:$0x3FD9]  }
0x89: {  	s3 =	sld [smem:$0x3FFE];
	_ =	sdelay $0x1  }
0x8a: {  	s1 =	srdreg.scid  }
0x8b: {  	s0 =	sand.u32 $0x1, s1  }
0x8c: {  	s15 =	sshll.u32 s0, $0xA;
	s2 =	sadd.s32 s3, s2  }
0x8d: {  	s2 =	sadd.s32 s2, s15  }
0x8e: {  	[smem:$0x3FC6] =	sst s2  }
0x8f: {  	_ = 	snop  }
0x90: {  	s2 =	sld [smem:$0x3FD0];
	_ =	sdelay $0x2  }
0x91: {  	s4 =	simm.s32 $0xA;
	s5 =	simm.s32 $0x10;
	s16 =	sld [smem:$0x3FC8]  }
0x92: {  	[smem:s5], [sflag:s4] =	dma.local [hbm:s2], $0x1  }
0x93: {  	_ =	swait.eq [sflag:s4], $0x1  }
0x94: {  	[sflag:s4] =	ssyncset.done $0x0  }
0x95: {  	s17 =	sld [smem:$0x10];
	[sflag:s4] =	ssyncadd.s32 $0xFFFFFFFF  }
0x96: {  	s18 =	sld [smem:$0x12];
	(tm) =	ssettm $0x1  }
0x97: {  	s19 =	sld [smem:$0x3FFB];
	_ =	sdelay $0x3  }
0x98: {  	_ =	strace s19  }
0x99: {  	s5 =	sld [smem:$0x3FFC];
	_ =	sdelay $0x3  }
0x9a: {  	_ =	strace s5  }
0x9b: {  	s5 =	sld [smem:$0x3FFD];
	_ =	sdelay $0x3  }
0x9c: {  	_ =	strace s5  }
0x9d: {  	_ =	strace $0x8FFFFFFF  }
0x9e: {  	s20 =	sld [smem:$0x3FDB];
	_ =	sdelay $0x1  }
0x9f: {  	s6 =	simm.s32 $_scs_section_size  }
0xa0: {  	s7 =	simm.s32 $_size__tile_overlayer_lowered;
	s8 =	simm.s32 $_tile_overlayer_lowered  }
0xa1: {  	s23 =	simm.s32 $0x1BFF;
	s22 =	sshll.u32 s8, $0x1;
	s5 =	sadd.s32 s6, s20  }
0xa2: {  	s9 =	simm.s32 $0x0;
	s21 =	sshll.u32 s7, $0x1;
	s7 =	sadd.s32 s22, s5  }
0xa3: {  	[timem:s9], [sflag:s23] =	dma.local [hbm:s7], s21  }
0xa4: {  	_ =	swait.ge [sflag:s23], s21  }
0xa5: {  	s6 =	ssub.s32 $0x0, s21;
	[sflag:s23] =	ssyncset.done $0x0  }
0xa6: {  	[sflag:s23] =	ssyncadd.s32 s6;
	_ =	sdelay $0x1  }
0xa7: {  	s24 =	simm.s32 $0x1B8B  }
0xa8: {  	_ =	swait.ge [sflag:s24], $0x1  }
0xa9: {  	[sflag:s24] =	ssyncset.done $0x0  }
0xaa: {  	s25 =	simm.s32 $0x1B8E;
	[sflag:s24] =	ssyncadd.s32 $0xFFFFFFFF  }
0xab: {  	s26 =	simm.s32 $execute0_lowered;
	[smem:$0x3FD2] =	sst s25  }
0xac: {  	s6 =	sshll.u32 s26, $0x1;
	_ =	strace $0x80000046;
	[dreg:$0x1] =	wrdreg $0xFFFFFFFF  }
0xad: {  	s28 =	simm.s32 $_size_execute0_lowered;
	s5 =	sadd.s32 s5, s6;
	[dreg:$0x0] =	wrdreg $0x0  }
0xae: {  	s6 =	sshll.u32 s28, $0x1;
	[dreg:$0x2] =	wrdreg s5  }
0xaf: {  	[dreg:$0x3] =	wrdreg s6  }
0xb0: {  	[dreg:$0x4] =	wrdreg $0xC0  }
0xb1: {  	_ =	task [dreg:s9], $0x5FFFF  }
0xb2: {  	[dreg:$0x1] =	wrdreg $0xFFFFFFFF  }
0xb3: {  	[dreg:$0x0] =	wrdreg $0x60  }
0xb4: {  	[dreg:$0x2] =	wrdreg s16  }
0xb5: {  	[dreg:$0x3] =	wrdreg s18  }
0xb6: {  	[dreg:$0x4] =	wrdreg s17  }
0xb7: {  	[dreg:$0x5] =	wrdreg $0x9  }
0xb8: {  	_ =	task.clear_ibuf [dreg:s9], $0x6FFFF;
	_ =	strace $0x90000046  }
0xb9: {  	s29 =	simm.s32 $0x9;
	_ =	strace $0x8000004F  }
0xba: {  	_ =	swait.ge [sflag:s29], $0x1  }
0xbb: {  	[sflag:s29] =	ssyncadd.s32 $0xFFFFFFFF  }
0xbc: {  	_ =	strace $0x9000004F  }
0xbd: {  	_ =	sfence  }
0xbe: {  	s30 =	sld [smem:$0x0];
	_ =	sdelay $0x2  }
0xbf: {  	s31 =	sshll.u32 s1, $0xD;
	s1 =	sshrl.u32 s1, $0x2  }
0xc0: {  	s3 =	sand.u32 $0x4000, s31;
	s1 =	sadd.s32 s1, s30  }
0xc1: {  	s0 =	sor.u32 s3, s0;
	s1 =	sshll.u32 s1, $0x11  }
0xc2: {  	s0 =	sor.u32 s1, s0  }
0xc3: {  	s0 =	sadd.s32 $0x8F2B, s0  }
0xc4: {  	[sflag:s0] =	ssyncadd.remote.s32 $0x1  }
0xc5: {  	_ =	sfence.sel $0xFFFF  }
0xc6: {  	[dreg:$0x0] =	wrdreg $0xFFFFFFFF;
	(pc) =	sbr.abs _section_cstart, $3  }
0xc7: {  	[dreg:$0x1] =	wrdreg $0xFFFFFFFF  }
0xc8: {  	_ =	task.clear_ibuf [dreg:s9], $0x2FFFF;
	_ =	strace $0x9FFFFFFF  }
0xc9: {  	(tm) =	ssettm $0x7FFFFFFF  }
tec
execute0_lowered:
.L_overlay_start_1:
0x0: {  	(tag) =	ssettag $0x1  }
0x1: {  	s1 =	rddreg [dreg:$0x0]  }
0x2: {  	s2 =	rddreg [dreg:$0x1]  }
0x3: {  	s3 =	rddreg [dreg:$0x2]  }
0x4: {  	s4 =	srdreg.scid;
	s0 =	rddreg [dreg:$0x3]  }
0x5: {  	s5 =	simm.s32 $0x0;
	s9 =	simm.s32 $0x5;
	s10 =	simm.s32 $0x4  }
.Ltmp0:
0x6: {  	s11 =	simm.s32 $0x0;
	s6 =	sand.u32 $0x1, s4;
	(pc) =	sbr.rel .LBB2_1-.Ltmp0, $4  }
0x7: {  	s4 =	stileid.u32;
	s7 =	ssub.s32 $0x2, s6;
	s6 =	sshll.u32 s6, $0x4  }
0x8: {  	v2 =	vlaneseq.u32;
	[smem:$0x7FF] =	sst s5;
	s8 =	sshrl.u32 s7, $0x1;
	s6 =	sor.u32 s4, s6  }
0x9: {  	vm0 =	vmmov $0xffff;
	v1 =	vshrl.u32 v2, $0x3;
	_ =	strace $0x80000047;
	s8 =	ssub.s32 s7, s8;
	s31 =	sshll.u32 s6, $0x5  }
0xa: {  	v0 =	vand.u32 $0x7, v2;
	v2 =	vor.u32 $0x8, v2;
	v1 =	vmul.u32 $0x8, v1;
	s6 =	sshll.u32 s6, $0x1;
	s7 =	sadd.s32 s2, s31;
	s8 =	smax.u32 s8, $0x1  }
.LBB2_4:
0xb: {  	s12 =	sand.u32 $0x1, s12  }
0xc: {  	_ =	strace $0x8000004D;
	s12 =	sadd.s32 $0x3, s12  }
0xd: {  	_ =	swait.ge [sflag:s12], $0x8000  }
0xe: {  	[sflag:s12] =	ssyncset.done $0x0  }
0xf: {  	s11 =	sadd.s32 $0x1, s11;
	[sflag:s12] =	ssyncadd.s32 $0xFFFF8000  }
0x10: {  	p0 =	sne.s32 s11, s8;
	_ =	strace $0x9000004D  }
.Ltmp1:
0x11: {  	_ =	strace $0x8000004E;
	(pc) =	sbr.rel @!p0 .LBB2_5-.Ltmp1, $4  }
0x12: {  	_ =	swait.ge [sflag:s10], $0x8000  }
0x13: {  	[sflag:s10] =	ssyncset.done $0x0  }
0x14: {  	[sflag:s10] =	ssyncadd.s32 $0xFFFF8000  }
0x15: {  	_ =	strace $0x9000004E  }
.LBB2_1:
0x16: {  	_ =	strace $0x80000048  }
0x17: {  	p0 =	por $0x1, $0x1;
	p2 =	por $0x0, $0x0;
	s13 =	simm.s32 $0x0  }
0x18: {  	s12 =	simm.s32 $0x0;
	s17 =	simm.s32 $0x0;
	s14 =	simm.s32 $0x0  }
0x19: {  	[tilespmem:s5], [sflag:$0x1] =	stream.linear.gather [hbm4b:s7+s5], $0x80, $0x200038;
	[tilespmem:$0x10100] =	vst v63  }
0x1a: {  	s15 =	simm.s32 $0x1;
	s16 =	simm.s32 $0x0;
	_ =	strace $0x90000048  }
.LBB2_2:
0x1b: {  	s18 =	smov.u32 s13;
	s13 =	sadd.s32 $0x1, s13  }
0x1c: {  	p1 =	seq.s32 s13, $0x2  }
0x1d: {  	s13 =	simm.s32 @p1 $0x0  }
0x1e: {  	p1 =	sne.s32 s18, s13  }
0x1f: {  	p1 =	por !p0, !p1  }
0x20: {  	p1 =	por !p1, !p1  }
0x21: {  	s19 =	sadd.s32 @p1 s6, s13  }
0x22: {  	s20 =	sand.u32 @p1 $0x1, s15;
	s19 =	sshll.u32 @p1 s19, $0x4  }
0x23: {  	_ =	strace @p1 $0x80000049;
	s22 =	simm.s32 @p1 $0x0;
	s19 =	sand.u32 @p1 $0x1FFFFFF0, s19  }
0x24: {  	s21 =	sshll.u32 @p1 s20, $0x7;
	s20 =	sadd.s32 @p1 $0x1, s20;
	s19 =	sadd.s32 @p1 s2, s19  }
0x25: {  	[tilespmem:s21], [sflag:s20] =	stream.linear.gather @p1 [hbm4b:s19+s22], $0x80, $0x200038;
	[tilespmem:$0x10100] =	vst v63  }
0x26: {  	s23 =	sand.u32 $0x1, s14;
	_ =	strace @p1 $0x90000049  }
0x27: {  	s19 =	sadd.s32 $0x1, s23;
	_ =	strace $0x8000004A  }
0x28: {  	_ =	swait.ge [sflag:s19], $0x80  }
0x29: {  	[sflag:s19] =	ssyncset.done $0x0  }
0x2a: {  	[sflag:s19] =	ssyncadd.s32 $0xFFFFFF80  }
0x2b: {  	s24 =	sshll.u32 s14, $0x7;
	_ =	strace $0x9000004A  }
0x2c: {  	s22 =	sand.u32 $0x80, s24;
	_ =	strace $0x8000004B  }
0x2d: {  	v3 =	vld [tilespmem:s22+$0x0];
	_ =	sdelay $0x4  }
0x2e: {  	v4 =	vshll.u32 v3, $0x1  }
0x2f: {  	v3 =	vand.u32 $0x7, v3;
	v4 =	vand.u32 $0xFFFFFFF0, v4  }
0x30: {  	v3 =	vor.u32 v3, v4  }
0x31: {  	v4 =	vperm.xlane v3, v0;
	_ =	sdelay $0x1  }
0x32: {  	v3 =	vperm.xlane v3, v2;
	v4 =	vadd.s32 v1, v4;
	_ =	sdelay $0x1  }
0x33: {  	s19 =	sand.u32 $0x1, s17;
	v3 =	vadd.s32 v1, v3  }
0x34: {  	s21 =	sshll.u32 s19, $0xF  }
0x35: {  	s20 =	sor.u32 $0x100, s21  }
0x36: {  	[tilespmem:s20], [sflag:$0x5] =	stream.indirect_vreg.gather [hbm4b:s1+s5], $0x80, v4, vm0, $0x2000b8;
	[tilespmem:$0x10100] =	vst v63  }
0x37: {  	s23 =	sor.u32 $0x900, s21  }
0x38: {  	[tilespmem:s23], [sflag:$0x5] =	stream.indirect_vreg.gather [hbm4b:s1+s5], $0x80, v3, vm0, $0x2000b8;
	[tilespmem:$0x10100] =	vst v63  }
0x39: {  	v3 =	vld [tilespmem:s22+$0x10];
	_ =	sdelay $0x4  }
0x3a: {  	v57 =	vshll.u32 v3, $0x1  }
0x3b: {  	v3 =	vand.u32 $0x7, v3;
	v4 =	vand.u32 $0xFFFFFFF0, v57  }
0x3c: {  	v3 =	vor.u32 v3, v4  }
0x3d: {  	v4 =	vperm.xlane v3, v0;
	_ =	sdelay $0x1  }
0x3e: {  	v3 =	vperm.xlane v3, v2;
	v4 =	vadd.s32 v1, v4;
	_ =	sdelay $0x1  }
0x3f: {  	v3 =	vadd.s32 v1, v3;
	_ =	sdelay $0x1  }
0x40: {  	s25 =	sor.u32 $0x1100, s21  }
0x41: {  	[tilespmem:s25], [sflag:$0x5] =	stream.indirect_vreg.gather [hbm4b:s1+s5], $0x80, v4, vm0, $0x2000b8;
	[tilespmem:$0x10100] =	vst v63  }
0x42: {  	s26 =	sor.u32 $0x1900, s21  }
0x43: {  	[tilespmem:s26], [sflag:$0x5] =	stream.indirect_vreg.gather [hbm4b:s1+s5], $0x80, v3, vm0, $0x2000b8;
	[tilespmem:$0x10100] =	vst v63  }
0x44: {  	v3 =	vld [tilespmem:s22+$0x20];
	_ =	sdelay $0x4  }
0x45: {  	v58 =	vshll.u32 v3, $0x1  }
0x46: {  	v3 =	vand.u32 $0x7, v3;
	v4 =	vand.u32 $0xFFFFFFF0, v58  }
0x47: {  	v3 =	vor.u32 v3, v4  }
0x48: {  	v4 =	vperm.xlane v3, v0;
	_ =	sdelay $0x1  }
0x49: {  	v3 =	vperm.xlane v3, v2;
	v4 =	vadd.s32 v1, v4;
	_ =	sdelay $0x1  }
0x4a: {  	v3 =	vadd.s32 v1, v3;
	_ =	sdelay $0x1  }
0x4b: {  	s28 =	sor.u32 $0x2100, s21  }
0x4c: {  	[tilespmem:s28], [sflag:$0x5] =	stream.indirect_vreg.gather [hbm4b:s1+s5], $0x80, v4, vm0, $0x2000b8;
	[tilespmem:$0x10100] =	vst v63  }
0x4d: {  	s29 =	sor.u32 $0x2900, s21  }
0x4e: {  	[tilespmem:s29], [sflag:$0x5] =	stream.indirect_vreg.gather [hbm4b:s1+s5], $0x80, v3, vm0, $0x2000b8;
	[tilespmem:$0x10100] =	vst v63  }
0x4f: {  	v3 =	vld [tilespmem:s22+$0x30];
	_ =	sdelay $0x4  }
0x50: {  	v59 =	vshll.u32 v3, $0x1  }
0x51: {  	v3 =	vand.u32 $0x7, v3;
	v4 =	vand.u32 $0xFFFFFFF0, v59  }
0x52: {  	v3 =	vor.u32 v3, v4  }
0x53: {  	v4 =	vperm.xlane v3, v0;
	_ =	sdelay $0x1  }
0x54: {  	v3 =	vperm.xlane v3, v2;
	v4 =	vadd.s32 v1, v4;
	_ =	sdelay $0x1  }
0x55: {  	v3 =	vadd.s32 v1, v3;
	_ =	sdelay $0x1  }
0x56: {  	s30 =	sor.u32 $0x3100, s21  }
0x57: {  	[tilespmem:s30], [sflag:$0x5] =	stream.indirect_vreg.gather [hbm4b:s1+s5], $0x80, v4, vm0, $0x2000b8;
	[tilespmem:$0x10100] =	vst v63  }
0x58: {  	s31 =	sor.u32 $0x3900, s21  }
0x59: {  	[tilespmem:s31], [sflag:$0x5] =	stream.indirect_vreg.gather [hbm4b:s1+s5], $0x80, v3, vm0, $0x2000b8;
	[tilespmem:$0x10100] =	vst v63  }
0x5a: {  	v3 =	vld [tilespmem:s22+$0x40];
	_ =	sdelay $0x4  }
0x5b: {  	v60 =	vshll.u32 v3, $0x1  }
0x5c: {  	v3 =	vand.u32 $0x7, v3;
	v4 =	vand.u32 $0xFFFFFFF0, v60  }
0x5d: {  	v3 =	vor.u32 v3, v4  }
0x5e: {  	v4 =	vperm.xlane v3, v0;
	_ =	sdelay $0x1  }
0x5f: {  	v3 =	vperm.xlane v3, v2;
	v4 =	vadd.s32 v1, v4;
	_ =	sdelay $0x1  }
0x60: {  	v3 =	vadd.s32 v1, v3;
	_ =	sdelay $0x1  }
0x61: {  	s24 =	sor.u32 $0x4100, s21  }
0x62: {  	[tilespmem:s24], [sflag:$0x5] =	stream.indirect_vreg.gather [hbm4b:s1+s5], $0x80, v4, vm0, $0x2000b8;
	[tilespmem:$0x10100] =	vst v63  }
0x63: {  	s25 =	sor.u32 $0x4900, s21  }
0x64: {  	[tilespmem:s25], [sflag:$0x5] =	stream.indirect_vreg.gather [hbm4b:s1+s5], $0x80, v3, vm0, $0x2000b8;
	[tilespmem:$0x10100] =	vst v63  }
0x65: {  	v3 =	vld [tilespmem:s22+$0x50];
	_ =	sdelay $0x4  }
0x66: {  	v61 =	vshll.u32 v3, $0x1  }
0x67: {  	v3 =	vand.u32 $0x7, v3;
	v4 =	vand.u32 $0xFFFFFFF0, v61  }
0x68: {  	v3 =	vor.u32 v3, v4  }
0x69: {  	v4 =	vperm.xlane v3, v0;
	_ =	sdelay $0x1  }
0x6a: {  	v3 =	vperm.xlane v3, v2;
	v4 =	vadd.s32 v1, v4;
	_ =	sdelay $0x1  }
0x6b: {  	v3 =	vadd.s32 v1, v3;
	_ =	sdelay $0x1  }
0x6c: {  	s26 =	sor.u32 $0x5100, s21  }
0x6d: {  	[tilespmem:s26], [sflag:$0x5] =	stream.indirect_vreg.gather [hbm4b:s1+s5], $0x80, v4, vm0, $0x2000b8;
	[tilespmem:$0x10100] =	vst v63  }
0x6e: {  	s28 =	sor.u32 $0x5900, s21  }
0x6f: {  	[tilespmem:s28], [sflag:$0x5] =	stream.indirect_vreg.gather [hbm4b:s1+s5], $0x80, v3, vm0, $0x2000b8;
	[tilespmem:$0x10100] =	vst v63  }
0x70: {  	v3 =	vld [tilespmem:s22+$0x60];
	_ =	sdelay $0x4  }
0x71: {  	v62 =	vshll.u32 v3, $0x1  }
0x72: {  	v3 =	vand.u32 $0x7, v3;
	v4 =	vand.u32 $0xFFFFFFF0, v62  }
0x73: {  	v3 =	vor.u32 v3, v4  }
0x74: {  	v4 =	vperm.xlane v3, v0;
	_ =	sdelay $0x1  }
0x75: {  	v3 =	vperm.xlane v3, v2;
	v4 =	vadd.s32 v1, v4;
	_ =	sdelay $0x1  }
0x76: {  	v3 =	vadd.s32 v1, v3;
	_ =	sdelay $0x1  }
0x77: {  	s29 =	sor.u32 $0x6100, s21  }
0x78: {  	[tilespmem:s29], [sflag:$0x5] =	stream.indirect_vreg.gather [hbm4b:s1+s5], $0x80, v4, vm0, $0x2000b8;
	[tilespmem:$0x10100] =	vst v63  }
0x79: {  	s30 =	sor.u32 $0x6900, s21  }
0x7a: {  	[tilespmem:s30], [sflag:$0x5] =	stream.indirect_vreg.gather [hbm4b:s1+s5], $0x80, v3, vm0, $0x2000b8;
	[tilespmem:$0x10100] =	vst v63  }
0x7b: {  	v3 =	vld [tilespmem:s22+$0x70];
	_ =	sdelay $0x4  }
0x7c: {  	v63 =	vshll.u32 v3, $0x1  }
0x7d: {  	v3 =	vand.u32 $0x7, v3;
	v4 =	vand.u32 $0xFFFFFFF0, v63  }
0x7e: {  	v3 =	vor.u32 v3, v4  }
0x7f: {  	v4 =	vperm.xlane v3, v0;
	_ =	sdelay $0x1  }
0x80: {  	v3 =	vperm.xlane v3, v2;
	v4 =	vadd.s32 v1, v4;
	_ =	sdelay $0x1  }
0x81: {  	v3 =	vadd.s32 v1, v3;
	_ =	sdelay $0x1  }
0x82: {  	p2 =	por !p2, !p2;
	p3 =	seq.s32 s18, s13;
	s31 =	sor.u32 $0x7100, s21  }
0x83: {  	[tilespmem:s31], [sflag:$0x5] =	stream.indirect_vreg.gather [hbm4b:s1+s5], $0x80, v4, vm0, $0x2000b8;
	[tilespmem:$0x10100] =	vst v63  }
0x84: {  	p2 =	por !p2, !p3;
	s21 =	sor.u32 $0x7900, s21  }
0x85: {  	[tilespmem:s21], [sflag:$0x5] =	stream.indirect_vreg.gather [hbm4b:s1+s5], $0x80, v3, vm0, $0x2000b8;
	[tilespmem:$0x10100] =	vst v63  }
0x86: {  	s18 =	sadd.s32 s6, s18;
	p2 =	por !p2, !p2;
	_ =	swait.ge [sflag:s9], $0x8000  }
0x87: {  	s18 =	sshll.u32 @!p2 s18, $0xC;
	p0 =	por p2, p0;
	[sflag:s9] =	ssyncset.done $0x0  }
.Ltmp2:
0x88: {  	s18 =	sand.u32 @!p2 $0x1FFFF000, s18;
	[sflag:s9] =	ssyncadd.s32 $0xFFFF8000;
	(pc) =	sbr.rel @!p0 .LBB2_4-.Ltmp2, $4  }
0x89: {  	s18 =	sadd.s32 @!p2 s3, s18;
	_ =	strace $0x9000004B  }
0x8a: {  	s19 =	sadd.s32 @!p2 $0x3, s19;
	s21 =	simm.s32 @!p2 $0x0;
	_ =	strace @!p2 $0x8000004C  }
0x8b: {  	[hbm4b:s18+s21] =	stream.linear.scatter @!p2 [tilespmem:s20], [sflag:s19], $0x8000, $0x200038;
	[tilespmem:$0x10100] =	vst v63  }
0x8c: {  	_ =	strace @!p2 $0x9000004C  }
.Ltmp3:
0x8d: {  	s18 =	simm.s32 $0x1;
	(pc) =	sbr.rel .LBB2_2-.Ltmp3, $4  }
0x8e: {  	s19 =	simm.s32 @!p2 $0x1;
	s12 =	sadd.s32 s16, s12;
	s18 =	simm.s32 @!p1 $0x0  }
0x8f: {  	s16 =	simm.s32 $0x1;
	s15 =	sadd.s32 s18, s15;
	s18 =	sadd.s32 @!p2 $0x1, s17  }
0x90: {  	p0 =	por $0x0, $0x0;
	s19 =	simm.s32 @p2 $0x0;
	s18 =	smov.u32 @p2 s17  }
0x91: {  	s14 =	sadd.s32 s14, s19;
	p2 =	por $0x1, $0x1;
	s17 =	smov.u32 s18  }
.LBB2_5:
0x92: {  	_ =	sfence.sel $0x180000  }
0x93: {  	[bflag:$0x0] =	sbarrier.arrive $0xFFFF  }
0x94: {  	p0 =	sne.s32 s4, $0x0;
	_ =	strace $0x90000047  }
0x95: {  	s0 =	sadd.s32 @!p0 $0x100000, s0;
	[bflag:$0x2] =	sbarrier.arrive $0xFFFF  }
0x96: {  	[sflag:s0] =	ssyncadd.tile.s32 @!p0 $0x1;
	_ =	shalt  }
.Lfunc_end2:
_tile_overlayer_lowered:
.L_overlay_start_2:
0x97: {  	(tag) =	ssettag $0x2  }
0x98: {  	s0 =	rddreg [dreg:$0x0];
	s2 =	stileid.u32  }
0x99: {  	s1 =	rddreg [dreg:$0x1];
	p0 =	sne.s32 s2, $0x0  }
0x9a: {  	s3 =	rddreg [dreg:$0x2];
	[bflag:$0x3] =	sbarrier.arrive $0xFFFF;
	s2 =	simm.s32 @!p0 $0x1C01  }
0x9b: {  	[timem:s3], [sflag:s2] =	dma.local @!p0 [hbm:s0], s1  }
0x9c: {  	s0 =	simm.s32 @!p0 $0x1  }
0x9d: {  	_ =	swait.ge @!p0 [sflag:s0], s1  }
0x9e: {  	s1 =	ssub.s32 @!p0 $0x0, s1;
	[sflag:s0] =	ssyncset.done @!p0 $0x0  }
0x9f: {  	[sflag:s0] =	ssyncadd.s32 @!p0 s1  }
0xa0: {  	[bflag:$0x3] =	sbarrier.arrive $0xFFFF  }
0xa1: {  	_ =	shalt  }

</sc_bundles>
